<compile_context>
chip_gen: v7x
topology: tpu7x:2x2x1
jax: 0.10.2.dev20260603
libtpu: 0.0.44.dev20260713+nightly
codegen_flags: <defaults>
</compile_context>

<pallas_src>
import functools

import jax
import jax.numpy as jnp
from jax import lax
from jax.experimental import pallas as pl
from jax.experimental.pallas import tpu as pltpu
from jax.experimental.pallas import tpu_sc as plsc

_BATCH, _SEQ, _D = 4096, 200, 64
_B = _BATCH * _SEQ
_NC, _NS = 2, 16
_NW = _NC * _NS
_RPW = _B // _NW
_K = 128
_G = _RPW // _K
_CH = 512
_GPC = _CH // _K
_NCH = _RPW // _CH


def _build():
    mesh = plsc.VectorSubcoreMesh(core_axis_name="c", subcore_axis_name="s")

    @functools.partial(
        pl.kernel,
        mesh=mesh,
        out_type=jax.ShapeDtypeStruct((_B, _D), jnp.float32),
        scratch_types=[
            pltpu.VMEM((_G, _K), jnp.int32),
            pltpu.VMEM((2, _CH, _D), jnp.float32),
            pltpu.SemaphoreType.DMA,
            pltpu.SemaphoreType.DMA,
            pltpu.SemaphoreType.DMA,
            pltpu.SemaphoreType.DMA,
        ],
        compiler_params=pltpu.CompilerParams(use_tc_tiling_on_sc=False),
    )
    def emb(idx_hbm, table_hbm, out_hbm, idx_v, buf, gsem0, gsem1, osem0, osem1):
        wid = lax.axis_index("s") * _NC + lax.axis_index("c")
        row0 = wid * _RPW
        pltpu.sync_copy(idx_hbm.at[wid], idx_v)
        gsems = (gsem0, gsem1)
        osems = (osem0, osem1)

        def start_gather(c, s):
            return [
                pltpu.async_copy(
                    table_hbm.at[idx_v.at[c * _GPC + g]],
                    buf.at[s, pl.ds(g * _K, _K)],
                    gsems[s],
                )
                for g in range(_GPC)
            ]

        def start_out(c, s):
            pltpu.async_copy(
                buf.at[s], out_hbm.at[pl.ds(row0 + c * _CH, _CH)], osems[s]
            )

        def wait_out(c, s):
            pltpu.make_async_copy(
                buf.at[s], out_hbm.at[pl.ds(row0 + c * _CH, _CH)], osems[s]
            ).wait()

        def pair(i, carry):
            c0, c1 = 2 * i, 2 * i + 1

            @pl.when(i >= 1)
            def _():
                wait_out(c0 - 2, 0)

            h0 = start_gather(c0, 0)

            @pl.when(i >= 1)
            def _():
                wait_out(c1 - 2, 1)

            h1 = start_gather(c1, 1)
            for h in h0:
                h.wait()
            start_out(c0, 0)
            for h in h1:
                h.wait()
            start_out(c1, 1)
            return carry

        lax.fori_loop(0, _NCH // 2, pair, 0)
        wait_out(_NCH - 2, 0)
        wait_out(_NCH - 1, 1)

    return emb


_emb = _build()


@jax.jit
def kernel(input_texts, embedding_table):
    idx = input_texts.reshape(_NW, _G, _K)
    out = _emb(idx, embedding_table)
    return out.reshape(_BATCH, _SEQ, _D)

# --- scband reference (transcript-rebuilt; emitter-appended) ---
"""Pipeline reference for scband-word-embedding-32968168964440 (READ-ONLY COPY).

The authoritative reference and input builder live on the scoring server;
editing this copy changes nothing except your own understanding.
"""

import jax, jax.numpy as jnp
import numpy as np

VOCAB = 1000000
EMBED_DIM = 64
BATCH = 4096
SEQ_LEN = 200
PAD_IDX = 0


def setup_inputs(seed: int = 0) -> dict:
    key = jax.random.key(seed)
    k_idx, k_tab = jax.random.split(key)
    input_texts = jax.random.randint(k_idx, (BATCH, SEQ_LEN), 0, VOCAB, dtype=jnp.int32)
    embedding_table = jax.random.normal(k_tab, (VOCAB, EMBED_DIM), dtype=jnp.float32)
    # nn.Embedding with padding_idx keeps the padding row at zero
    embedding_table = embedding_table.at[PAD_IDX].set(0.0)
    return {"input_texts": input_texts, "embedding_table": embedding_table}


def reference(input_texts, embedding_table):
    # nn.Embedding lookup: gather rows of the table
    out = jnp.take(embedding_table, input_texts, axis=0)
    # nn.Dropout in eval mode is the identity
    return out

if __name__ == "__main__":
    import jax
    _d = setup_inputs()
    print(jax.jit(kernel)(*tuple(_d.values())))

</pallas_src>

<mosaic_0001>
#map = affine_map<(d0, d1) -> (0, 0, 0)>
#map1 = affine_map<(d0, d1) -> (0, 0)>
module attributes {stable_mosaic.version = 14 : i64} {
  func.func @emb(%arg0: i32, %arg1: i32, %arg2: memref<32x200x128xi32, #tpu.memory_space<hbm>>, %arg3: memref<1000000x64xf32, #tpu.memory_space<hbm>>, %arg4: memref<819200x64xf32, #tpu.memory_space<hbm>>, %arg5: memref<200x128xi32, #tpu.memory_space<vmem>>, %arg6: memref<2x512x64xf32, #tpu.memory_space<vmem>>, %arg7: memref<!tpu.dma_semaphore, #tpu.memory_space<semaphore_mem>>, %arg8: memref<!tpu.dma_semaphore, #tpu.memory_space<semaphore_mem>>, %arg9: memref<!tpu.dma_semaphore, #tpu.memory_space<semaphore_mem>>, %arg10: memref<!tpu.dma_semaphore, #tpu.memory_space<semaphore_mem>>) attributes {dimension_semantics = [#tpu.dimension_semantics<core_parallel>, #tpu.dimension_semantics<subcore_parallel>], iteration_bounds = array<i64: 2, 16>, scalar_prefetch = 0 : i64, scratch_operands = 6 : i64, tpu.core_type = #tpu.core_type<sc_vector_subcore>, window_params = [{transform_indices = #map}, {transform_indices = #map1}, {transform_indices = #map1}]} {
    %mul3A = arith.constant 2 : i32
    %mul3A_0 = arith.muli %arg1, %mul3A : i32
    %add3A = arith.addi %mul3A_0, %arg0 : i32
    %mul3A_1 = arith.constant 25600 : i32
    %mul3A_2 = arith.muli %add3A, %mul3A_1 : i32
    "tpu.region"() ({
      %run_scoped3A = tpu.sem_alloc : memref<!tpu.dma_semaphore, #tpu.memory_space<semaphore_mem>>
      %dma_start3A = arith.constant 0 : i32
      %dma_start3A_37 = arith.constant 0 : i32
      %dma_start3A_38 = tpu.memref_slice %arg2[%add3A, %dma_start3A, %dma_start3A_37] : memref<32x200x128xi32, #tpu.memory_space<hbm>> -> memref<1x200x128xi32, #tpu.memory_space<hbm>>
      %dma_start3A_39 = tpu.memref_squeeze %dma_start3A_38 : memref<1x200x128xi32, #tpu.memory_space<hbm>> -> memref<200x128xi32, #tpu.memory_space<hbm>>
      %dma_start3A_40 = arith.constant 0 : i32
      %dma_start3A_41 = arith.constant 0 : i32
      %dma_start3A_42 = tpu.memref_slice %arg2[%add3A, %dma_start3A_40, %dma_start3A_41] : memref<32x200x128xi32, #tpu.memory_space<hbm>> -> memref<1x200x128xi32, #tpu.memory_space<hbm>>
      %dma_start3A_43 = tpu.memref_squeeze %dma_start3A_42 : memref<1x200x128xi32, #tpu.memory_space<hbm>> -> memref<200x128xi32, #tpu.memory_space<hbm>>
      tpu.enqueue_dma source(%dma_start3A_43 : memref<200x128xi32, #tpu.memory_space<hbm>>) target(%arg5 : memref<200x128xi32, #tpu.memory_space<vmem>>) target_semaphore(%run_scoped3A : memref<!tpu.dma_semaphore, #tpu.memory_space<semaphore_mem>>)
      %dma_wait3A_44 = arith.constant 0 : i32
      %dma_wait3A_45 = arith.constant 0 : i32
      %dma_wait3A_46 = tpu.memref_slice %arg2[%add3A, %dma_wait3A_44, %dma_wait3A_45] : memref<32x200x128xi32, #tpu.memory_space<hbm>> -> memref<1x200x128xi32, #tpu.memory_space<hbm>>
      %dma_wait3A_47 = tpu.memref_squeeze %dma_wait3A_46 : memref<1x200x128xi32, #tpu.memory_space<hbm>> -> memref<200x128xi32, #tpu.memory_space<hbm>>
      %dma_wait3A_48 = arith.constant 0 : i32
      %dma_wait3A_49 = arith.constant 0 : i32
      %dma_wait3A_50 = tpu.memref_slice %arg2[%add3A, %dma_wait3A_48, %dma_wait3A_49] : memref<32x200x128xi32, #tpu.memory_space<hbm>> -> memref<1x200x128xi32, #tpu.memory_space<hbm>>
      %dma_wait3A_51 = tpu.memref_squeeze %dma_wait3A_50 : memref<1x200x128xi32, #tpu.memory_space<hbm>> -> memref<200x128xi32, #tpu.memory_space<hbm>>
      tpu.wait_dma2 semaphore(%run_scoped3A : memref<!tpu.dma_semaphore, #tpu.memory_space<semaphore_mem>>) src(%dma_wait3A_51 : memref<200x128xi32, #tpu.memory_space<hbm>>) dst(%arg5 : memref<200x128xi32, #tpu.memory_space<vmem>>)
      tpu.yield
    }) : () -> ()
    %scan3A = arith.constant 0 : i32
    %scan3A_3 = arith.constant 0 : i32
    %scan3A_4 = arith.constant 25 : i32
    %scan3A_5 = arith.addi %scan3A_3, %scan3A_4 : i32
    %scan3A_6 = arith.constant 1 : i32
    scf.for %scan3A_37 = %scan3A_3 to %scan3A_5 step %scan3A_6  : i32 {
      %mul3A_38 = arith.constant 2 : i32
      %mul3A_39 = arith.muli %mul3A_38, %scan3A_37 : i32
      %mul3A_40 = arith.constant 2 : i32
      %mul3A_41 = arith.muli %mul3A_40, %scan3A_37 : i32
      %add3A_42 = arith.constant 1 : i32
      %add3A_43 = arith.addi %mul3A_41, %add3A_42 : i32
      %ge3A = arith.constant 1 : i32
      %ge3A_44 = arith.cmpi sge, %scan3A_37, %ge3A : i32
      %convert_element_type3A = arith.extui %ge3A_44 : i1 to i32
      %cond3A = arith.constant 0 : i32
      %cond3A_45 = arith.cmpi ne, %convert_element_type3A, %cond3A : i32
      scf.if %cond3A_45 {
        %sub3A = arith.constant 2 : i32
        %sub3A_290 = arith.subi %mul3A_39, %sub3A : i32
        %mul3A_291 = arith.constant 512 : i32
        %mul3A_292 = arith.muli %sub3A_290, %mul3A_291 : i32
        %add3A_293 = arith.addi %mul3A_2, %mul3A_292 : i32
        %dma_wait3A_294 = arith.constant 0 : i32
        %dma_wait3A_295 = arith.constant 0 : i32
        %dma_wait3A_296 = arith.constant 0 : i32
        %dma_wait3A_297 = tpu.memref_slice %arg6[%dma_wait3A_294, %dma_wait3A_295, %dma_wait3A_296] : memref<2x512x64xf32, #tpu.memory_space<vmem>> -> memref<1x512x64xf32, #tpu.memory_space<vmem>>
        %dma_wait3A_298 = tpu.memref_squeeze %dma_wait3A_297 : memref<1x512x64xf32, #tpu.memory_space<vmem>> -> memref<512x64xf32, #tpu.memory_space<vmem>>
        %dma_wait3A_299 = arith.constant 0 : i32
        %dma_wait3A_300 = tpu.memref_slice %arg4[%add3A_293, %dma_wait3A_299] : memref<819200x64xf32, #tpu.memory_space<hbm>> -> memref<512x64xf32, #tpu.memory_space<hbm>>
        %dma_wait3A_301 = arith.constant 0 : i32
        %dma_wait3A_302 = tpu.memref_slice %arg4[%add3A_293, %dma_wait3A_301] : memref<819200x64xf32, #tpu.memory_space<hbm>> -> memref<512x64xf32, #tpu.memory_space<hbm>>
        %dma_wait3A_303 = arith.constant 0 : i32
        %dma_wait3A_304 = arith.constant 0 : i32
        %dma_wait3A_305 = tpu.memref_slice %arg6[%dma_wait3A_294, %dma_wait3A_303, %dma_wait3A_304] : memref<2x512x64xf32, #tpu.memory_space<vmem>> -> memref<1x512x64xf32, #tpu.memory_space<vmem>>
        %dma_wait3A_306 = tpu.memref_squeeze %dma_wait3A_305 : memref<1x512x64xf32, #tpu.memory_space<vmem>> -> memref<512x64xf32, #tpu.memory_space<vmem>>
        tpu.wait_dma2 semaphore(%arg9 : memref<!tpu.dma_semaphore, #tpu.memory_space<semaphore_mem>>) src(%dma_wait3A_306 : memref<512x64xf32, #tpu.memory_space<vmem>>) dst(%dma_wait3A_302 : memref<512x64xf32, #tpu.memory_space<hbm>>)
      } else {
      }
      %mul3A_46 = arith.constant 4 : i32
      %mul3A_47 = arith.muli %mul3A_39, %mul3A_46 : i32
      %add3A_48 = arith.constant 0 : i32
      %add3A_49 = arith.addi %mul3A_47, %add3A_48 : i32
      %dma_start3A = arith.constant 0 : i32
      %dma_start3A_50 = arith.constant 0 : i32
      %dma_start3A_51 = arith.constant 0 : i32
      %dma_start3A_52 = tpu.memref_slice %arg6[%dma_start3A, %dma_start3A_50, %dma_start3A_51] : memref<2x512x64xf32, #tpu.memory_space<vmem>> -> memref<1x128x64xf32, #tpu.memory_space<vmem>>
      %dma_start3A_53 = tpu.memref_squeeze %dma_start3A_52 : memref<1x128x64xf32, #tpu.memory_space<vmem>> -> memref<128x64xf32, #tpu.memory_space<vmem>>
      %dma_start3A_54 = arith.constant 0 : i32
      %dma_start3A_55 = tpu.memref_slice %arg5[%add3A_49, %dma_start3A_54] : memref<200x128xi32, #tpu.memory_space<vmem>> -> memref<1x128xi32, #tpu.memory_space<vmem>>
      %dma_start3A_56 = tpu.memref_squeeze %dma_start3A_55 : memref<1x128xi32, #tpu.memory_space<vmem>> -> memref<128xi32, #tpu.memory_space<vmem>>
      %dma_start3A_57 = arith.constant 0 : i32
      %dma_start3A_58 = arith.constant 0 : i32
      %dma_start3A_59 = tpu.memref_slice %arg3[%dma_start3A_57, %dma_start3A_58] : memref<1000000x64xf32, #tpu.memory_space<hbm>> -> memref<1000000x64xf32, #tpu.memory_space<hbm>>
      tpu.enqueue_indirect_dma source(%dma_start3A_59 : memref<1000000x64xf32, #tpu.memory_space<hbm>>) target(%dma_start3A_53 : memref<128x64xf32, #tpu.memory_space<vmem>>) offsets(%dma_start3A_56 : memref<128xi32, #tpu.memory_space<vmem>>) semaphore(%arg7 : memref<!tpu.dma_semaphore, #tpu.memory_space<semaphore_mem>>)
      %mul3A_60 = arith.constant 4 : i32
      %mul3A_61 = arith.muli %mul3A_39, %mul3A_60 : i32
      %add3A_62 = arith.constant 1 : i32
      %add3A_63 = arith.addi %mul3A_61, %add3A_62 : i32
      %dma_start3A_64 = arith.constant 0 : i32
      %dma_start3A_65 = arith.constant 128 : i32
      %dma_start3A_66 = arith.constant 0 : i32
      %dma_start3A_67 = tpu.memref_slice %arg6[%dma_start3A_64, %dma_start3A_65, %dma_start3A_66] : memref<2x512x64xf32, #tpu.memory_space<vmem>> -> memref<1x128x64xf32, #tpu.memory_space<vmem>>
      %dma_start3A_68 = tpu.memref_squeeze %dma_start3A_67 : memref<1x128x64xf32, #tpu.memory_space<vmem>> -> memref<128x64xf32, #tpu.memory_space<vmem>>
      %dma_start3A_69 = arith.constant 0 : i32
      %dma_start3A_70 = tpu.memref_slice %arg5[%add3A_63, %dma_start3A_69] : memref<200x128xi32, #tpu.memory_space<vmem>> -> memref<1x128xi32, #tpu.memory_space<vmem>>
      %dma_start3A_71 = tpu.memref_squeeze %dma_start3A_70 : memref<1x128xi32, #tpu.memory_space<vmem>> -> memref<128xi32, #tpu.memory_space<vmem>>
      %dma_start3A_72 = arith.constant 0 : i32
      %dma_start3A_73 = arith.constant 0 : i32
      %dma_start3A_74 = tpu.memref_slice %arg3[%dma_start3A_72, %dma_start3A_73] : memref<1000000x64xf32, #tpu.memory_space<hbm>> -> memref<1000000x64xf32, #tpu.memory_space<hbm>>
      tpu.enqueue_indirect_dma source(%dma_start3A_74 : memref<1000000x64xf32, #tpu.memory_space<hbm>>) target(%dma_start3A_68 : memref<128x64xf32, #tpu.memory_space<vmem>>) offsets(%dma_start3A_71 : memref<128xi32, #tpu.memory_space<vmem>>) semaphore(%arg7 : memref<!tpu.dma_semaphore, #tpu.memory_space<semaphore_mem>>)
      %mul3A_75 = arith.constant 4 : i32
      %mul3A_76 = arith.muli %mul3A_39, %mul3A_75 : i32
      %add3A_77 = arith.constant 2 : i32
      %add3A_78 = arith.addi %mul3A_76, %add3A_77 : i32
      %dma_start3A_79 = arith.constant 0 : i32
      %dma_start3A_80 = arith.constant 256 : i32
      %dma_start3A_81 = arith.constant 0 : i32
      %dma_start3A_82 = tpu.memref_slice %arg6[%dma_start3A_79, %dma_start3A_80, %dma_start3A_81] : memref<2x512x64xf32, #tpu.memory_space<vmem>> -> memref<1x128x64xf32, #tpu.memory_space<vmem>>
      %dma_start3A_83 = tpu.memref_squeeze %dma_start3A_82 : memref<1x128x64xf32, #tpu.memory_space<vmem>> -> memref<128x64xf32, #tpu.memory_space<vmem>>
      %dma_start3A_84 = arith.constant 0 : i32
      %dma_start3A_85 = tpu.memref_slice %arg5[%add3A_78, %dma_start3A_84] : memref<200x128xi32, #tpu.memory_space<vmem>> -> memref<1x128xi32, #tpu.memory_space<vmem>>
      %dma_start3A_86 = tpu.memref_squeeze %dma_start3A_85 : memref<1x128xi32, #tpu.memory_space<vmem>> -> memref<128xi32, #tpu.memory_space<vmem>>
      %dma_start3A_87 = arith.constant 0 : i32
      %dma_start3A_88 = arith.constant 0 : i32
      %dma_start3A_89 = tpu.memref_slice %arg3[%dma_start3A_87, %dma_start3A_88] : memref<1000000x64xf32, #tpu.memory_space<hbm>> -> memref<1000000x64xf32, #tpu.memory_space<hbm>>
      tpu.enqueue_indirect_dma source(%dma_start3A_89 : memref<1000000x64xf32, #tpu.memory_space<hbm>>) target(%dma_start3A_83 : memref<128x64xf32, #tpu.memory_space<vmem>>) offsets(%dma_start3A_86 : memref<128xi32, #tpu.memory_space<vmem>>) semaphore(%arg7 : memref<!tpu.dma_semaphore, #tpu.memory_space<semaphore_mem>>)
      %mul3A_90 = arith.constant 4 : i32
      %mul3A_91 = arith.muli %mul3A_39, %mul3A_90 : i32
      %add3A_92 = arith.constant 3 : i32
      %add3A_93 = arith.addi %mul3A_91, %add3A_92 : i32
      %dma_start3A_94 = arith.constant 0 : i32
      %dma_start3A_95 = arith.constant 384 : i32
      %dma_start3A_96 = arith.constant 0 : i32
      %dma_start3A_97 = tpu.memref_slice %arg6[%dma_start3A_94, %dma_start3A_95, %dma_start3A_96] : memref<2x512x64xf32, #tpu.memory_space<vmem>> -> memref<1x128x64xf32, #tpu.memory_space<vmem>>
      %dma_start3A_98 = tpu.memref_squeeze %dma_start3A_97 : memref<1x128x64xf32, #tpu.memory_space<vmem>> -> memref<128x64xf32, #tpu.memory_space<vmem>>
      %dma_start3A_99 = arith.constant 0 : i32
      %dma_start3A_100 = tpu.memref_slice %arg5[%add3A_93, %dma_start3A_99] : memref<200x128xi32, #tpu.memory_space<vmem>> -> memref<1x128xi32, #tpu.memory_space<vmem>>
      %dma_start3A_101 = tpu.memref_squeeze %dma_start3A_100 : memref<1x128xi32, #tpu.memory_space<vmem>> -> memref<128xi32, #tpu.memory_space<vmem>>
      %dma_start3A_102 = arith.constant 0 : i32
      %dma_start3A_103 = arith.constant 0 : i32
      %dma_start3A_104 = tpu.memref_slice %arg3[%dma_start3A_102, %dma_start3A_103] : memref<1000000x64xf32, #tpu.memory_space<hbm>> -> memref<1000000x64xf32, #tpu.memory_space<hbm>>
      tpu.enqueue_indirect_dma source(%dma_start3A_104 : memref<1000000x64xf32, #tpu.memory_space<hbm>>) target(%dma_start3A_98 : memref<128x64xf32, #tpu.memory_space<vmem>>) offsets(%dma_start3A_101 : memref<128xi32, #tpu.memory_space<vmem>>) semaphore(%arg7 : memref<!tpu.dma_semaphore, #tpu.memory_space<semaphore_mem>>)
      %ge3A_105 = arith.constant 1 : i32
      %ge3A_106 = arith.cmpi sge, %scan3A_37, %ge3A_105 : i32
      %convert_element_type3A_107 = arith.extui %ge3A_106 : i1 to i32
      %cond3A_108 = arith.constant 0 : i32
      %cond3A_109 = arith.cmpi ne, %convert_element_type3A_107, %cond3A_108 : i32
      scf.if %cond3A_109 {
        %sub3A = arith.constant 2 : i32
        %sub3A_290 = arith.subi %add3A_43, %sub3A : i32
        %mul3A_291 = arith.constant 512 : i32
        %mul3A_292 = arith.muli %sub3A_290, %mul3A_291 : i32
        %add3A_293 = arith.addi %mul3A_2, %mul3A_292 : i32
        %dma_wait3A_294 = arith.constant 1 : i32
        %dma_wait3A_295 = arith.constant 0 : i32
        %dma_wait3A_296 = arith.constant 0 : i32
        %dma_wait3A_297 = tpu.memref_slice %arg6[%dma_wait3A_294, %dma_wait3A_295, %dma_wait3A_296] : memref<2x512x64xf32, #tpu.memory_space<vmem>> -> memref<1x512x64xf32, #tpu.memory_space<vmem>>
        %dma_wait3A_298 = tpu.memref_squeeze %dma_wait3A_297 : memref<1x512x64xf32, #tpu.memory_space<vmem>> -> memref<512x64xf32, #tpu.memory_space<vmem>>
        %dma_wait3A_299 = arith.constant 0 : i32
        %dma_wait3A_300 = tpu.memref_slice %arg4[%add3A_293, %dma_wait3A_299] : memref<819200x64xf32, #tpu.memory_space<hbm>> -> memref<512x64xf32, #tpu.memory_space<hbm>>
        %dma_wait3A_301 = arith.constant 0 : i32
        %dma_wait3A_302 = tpu.memref_slice %arg4[%add3A_293, %dma_wait3A_301] : memref<819200x64xf32, #tpu.memory_space<hbm>> -> memref<512x64xf32, #tpu.memory_space<hbm>>
        %dma_wait3A_303 = arith.constant 0 : i32
        %dma_wait3A_304 = arith.constant 0 : i32
        %dma_wait3A_305 = tpu.memref_slice %arg6[%dma_wait3A_294, %dma_wait3A_303, %dma_wait3A_304] : memref<2x512x64xf32, #tpu.memory_space<vmem>> -> memref<1x512x64xf32, #tpu.memory_space<vmem>>
        %dma_wait3A_306 = tpu.memref_squeeze %dma_wait3A_305 : memref<1x512x64xf32, #tpu.memory_space<vmem>> -> memref<512x64xf32, #tpu.memory_space<vmem>>
        tpu.wait_dma2 semaphore(%arg10 : memref<!tpu.dma_semaphore, #tpu.memory_space<semaphore_mem>>) src(%dma_wait3A_306 : memref<512x64xf32, #tpu.memory_space<vmem>>) dst(%dma_wait3A_302 : memref<512x64xf32, #tpu.memory_space<hbm>>)
      } else {
      }
      %mul3A_110 = arith.constant 4 : i32
      %mul3A_111 = arith.muli %add3A_43, %mul3A_110 : i32
      %add3A_112 = arith.constant 0 : i32
      %add3A_113 = arith.addi %mul3A_111, %add3A_112 : i32
      %dma_start3A_114 = arith.constant 1 : i32
      %dma_start3A_115 = arith.constant 0 : i32
      %dma_start3A_116 = arith.constant 0 : i32
      %dma_start3A_117 = tpu.memref_slice %arg6[%dma_start3A_114, %dma_start3A_115, %dma_start3A_116] : memref<2x512x64xf32, #tpu.memory_space<vmem>> -> memref<1x128x64xf32, #tpu.memory_space<vmem>>
      %dma_start3A_118 = tpu.memref_squeeze %dma_start3A_117 : memref<1x128x64xf32, #tpu.memory_space<vmem>> -> memref<128x64xf32, #tpu.memory_space<vmem>>
      %dma_start3A_119 = arith.constant 0 : i32
      %dma_start3A_120 = tpu.memref_slice %arg5[%add3A_113, %dma_start3A_119] : memref<200x128xi32, #tpu.memory_space<vmem>> -> memref<1x128xi32, #tpu.memory_space<vmem>>
      %dma_start3A_121 = tpu.memref_squeeze %dma_start3A_120 : memref<1x128xi32, #tpu.memory_space<vmem>> -> memref<128xi32, #tpu.memory_space<vmem>>
      %dma_start3A_122 = arith.constant 0 : i32
      %dma_start3A_123 = arith.constant 0 : i32
      %dma_start3A_124 = tpu.memref_slice %arg3[%dma_start3A_122, %dma_start3A_123] : memref<1000000x64xf32, #tpu.memory_space<hbm>> -> memref<1000000x64xf32, #tpu.memory_space<hbm>>
      tpu.enqueue_indirect_dma source(%dma_start3A_124 : memref<1000000x64xf32, #tpu.memory_space<hbm>>) target(%dma_start3A_118 : memref<128x64xf32, #tpu.memory_space<vmem>>) offsets(%dma_start3A_121 : memref<128xi32, #tpu.memory_space<vmem>>) semaphore(%arg8 : memref<!tpu.dma_semaphore, #tpu.memory_space<semaphore_mem>>)
      %mul3A_125 = arith.constant 4 : i32
      %mul3A_126 = arith.muli %add3A_43, %mul3A_125 : i32
      %add3A_127 = arith.constant 1 : i32
      %add3A_128 = arith.addi %mul3A_126, %add3A_127 : i32
      %dma_start3A_129 = arith.constant 1 : i32
      %dma_start3A_130 = arith.constant 128 : i32
      %dma_start3A_131 = arith.constant 0 : i32
      %dma_start3A_132 = tpu.memref_slice %arg6[%dma_start3A_129, %dma_start3A_130, %dma_start3A_131] : memref<2x512x64xf32, #tpu.memory_space<vmem>> -> memref<1x128x64xf32, #tpu.memory_space<vmem>>
      %dma_start3A_133 = tpu.memref_squeeze %dma_start3A_132 : memref<1x128x64xf32, #tpu.memory_space<vmem>> -> memref<128x64xf32, #tpu.memory_space<vmem>>
      %dma_start3A_134 = arith.constant 0 : i32
      %dma_start3A_135 = tpu.memref_slice %arg5[%add3A_128, %dma_start3A_134] : memref<200x128xi32, #tpu.memory_space<vmem>> -> memref<1x128xi32, #tpu.memory_space<vmem>>
      %dma_start3A_136 = tpu.memref_squeeze %dma_start3A_135 : memref<1x128xi32, #tpu.memory_space<vmem>> -> memref<128xi32, #tpu.memory_space<vmem>>
      %dma_start3A_137 = arith.constant 0 : i32
      %dma_start3A_138 = arith.constant 0 : i32
      %dma_start3A_139 = tpu.memref_slice %arg3[%dma_start3A_137, %dma_start3A_138] : memref<1000000x64xf32, #tpu.memory_space<hbm>> -> memref<1000000x64xf32, #tpu.memory_space<hbm>>
      tpu.enqueue_indirect_dma source(%dma_start3A_139 : memref<1000000x64xf32, #tpu.memory_space<hbm>>) target(%dma_start3A_133 : memref<128x64xf32, #tpu.memory_space<vmem>>) offsets(%dma_start3A_136 : memref<128xi32, #tpu.memory_space<vmem>>) semaphore(%arg8 : memref<!tpu.dma_semaphore, #tpu.memory_space<semaphore_mem>>)
      %mul3A_140 = arith.constant 4 : i32
      %mul3A_141 = arith.muli %add3A_43, %mul3A_140 : i32
      %add3A_142 = arith.constant 2 : i32
      %add3A_143 = arith.addi %mul3A_141, %add3A_142 : i32
      %dma_start3A_144 = arith.constant 1 : i32
      %dma_start3A_145 = arith.constant 256 : i32
      %dma_start3A_146 = arith.constant 0 : i32
      %dma_start3A_147 = tpu.memref_slice %arg6[%dma_start3A_144, %dma_start3A_145, %dma_start3A_146] : memref<2x512x64xf32, #tpu.memory_space<vmem>> -> memref<1x128x64xf32, #tpu.memory_space<vmem>>
      %dma_start3A_148 = tpu.memref_squeeze %dma_start3A_147 : memref<1x128x64xf32, #tpu.memory_space<vmem>> -> memref<128x64xf32, #tpu.memory_space<vmem>>
      %dma_start3A_149 = arith.constant 0 : i32
      %dma_start3A_150 = tpu.memref_slice %arg5[%add3A_143, %dma_start3A_149] : memref<200x128xi32, #tpu.memory_space<vmem>> -> memref<1x128xi32, #tpu.memory_space<vmem>>
      %dma_start3A_151 = tpu.memref_squeeze %dma_start3A_150 : memref<1x128xi32, #tpu.memory_space<vmem>> -> memref<128xi32, #tpu.memory_space<vmem>>
      %dma_start3A_152 = arith.constant 0 : i32
      %dma_start3A_153 = arith.constant 0 : i32
      %dma_start3A_154 = tpu.memref_slice %arg3[%dma_start3A_152, %dma_start3A_153] : memref<1000000x64xf32, #tpu.memory_space<hbm>> -> memref<1000000x64xf32, #tpu.memory_space<hbm>>
      tpu.enqueue_indirect_dma source(%dma_start3A_154 : memref<1000000x64xf32, #tpu.memory_space<hbm>>) target(%dma_start3A_148 : memref<128x64xf32, #tpu.memory_space<vmem>>) offsets(%dma_start3A_151 : memref<128xi32, #tpu.memory_space<vmem>>) semaphore(%arg8 : memref<!tpu.dma_semaphore, #tpu.memory_space<semaphore_mem>>)
      %mul3A_155 = arith.constant 4 : i32
      %mul3A_156 = arith.muli %add3A_43, %mul3A_155 : i32
      %add3A_157 = arith.constant 3 : i32
      %add3A_158 = arith.addi %mul3A_156, %add3A_157 : i32
      %dma_start3A_159 = arith.constant 1 : i32
      %dma_start3A_160 = arith.constant 384 : i32
      %dma_start3A_161 = arith.constant 0 : i32
      %dma_start3A_162 = tpu.memref_slice %arg6[%dma_start3A_159, %dma_start3A_160, %dma_start3A_161] : memref<2x512x64xf32, #tpu.memory_space<vmem>> -> memref<1x128x64xf32, #tpu.memory_space<vmem>>
      %dma_start3A_163 = tpu.memref_squeeze %dma_start3A_162 : memref<1x128x64xf32, #tpu.memory_space<vmem>> -> memref<128x64xf32, #tpu.memory_space<vmem>>
      %dma_start3A_164 = arith.constant 0 : i32
      %dma_start3A_165 = tpu.memref_slice %arg5[%add3A_158, %dma_start3A_164] : memref<200x128xi32, #tpu.memory_space<vmem>> -> memref<1x128xi32, #tpu.memory_space<vmem>>
      %dma_start3A_166 = tpu.memref_squeeze %dma_start3A_165 : memref<1x128xi32, #tpu.memory_space<vmem>> -> memref<128xi32, #tpu.memory_space<vmem>>
      %dma_start3A_167 = arith.constant 0 : i32
      %dma_start3A_168 = arith.constant 0 : i32
      %dma_start3A_169 = tpu.memref_slice %arg3[%dma_start3A_167, %dma_start3A_168] : memref<1000000x64xf32, #tpu.memory_space<hbm>> -> memref<1000000x64xf32, #tpu.memory_space<hbm>>
      tpu.enqueue_indirect_dma source(%dma_start3A_169 : memref<1000000x64xf32, #tpu.memory_space<hbm>>) target(%dma_start3A_163 : memref<128x64xf32, #tpu.memory_space<vmem>>) offsets(%dma_start3A_166 : memref<128xi32, #tpu.memory_space<vmem>>) semaphore(%arg8 : memref<!tpu.dma_semaphore, #tpu.memory_space<semaphore_mem>>)
      %dma_wait3A_170 = arith.constant 0 : i32
      %dma_wait3A_171 = arith.constant 0 : i32
      %dma_wait3A_172 = arith.constant 0 : i32
      %dma_wait3A_173 = tpu.memref_slice %arg6[%dma_wait3A_170, %dma_wait3A_171, %dma_wait3A_172] : memref<2x512x64xf32, #tpu.memory_space<vmem>> -> memref<1x128x64xf32, #tpu.memory_space<vmem>>
      %dma_wait3A_174 = tpu.memref_squeeze %dma_wait3A_173 : memref<1x128x64xf32, #tpu.memory_space<vmem>> -> memref<128x64xf32, #tpu.memory_space<vmem>>
      %dma_wait3A_175 = arith.constant 0 : i32
      %dma_wait3A_176 = tpu.memref_slice %arg5[%add3A_49, %dma_wait3A_175] : memref<200x128xi32, #tpu.memory_space<vmem>> -> memref<1x128xi32, #tpu.memory_space<vmem>>
      %dma_wait3A_177 = tpu.memref_squeeze %dma_wait3A_176 : memref<1x128xi32, #tpu.memory_space<vmem>> -> memref<128xi32, #tpu.memory_space<vmem>>
      %dma_wait3A_178 = arith.constant 0 : i32
      %dma_wait3A_179 = arith.constant 0 : i32
      %dma_wait3A_180 = tpu.memref_slice %arg3[%dma_wait3A_178, %dma_wait3A_179] : memref<1000000x64xf32, #tpu.memory_space<hbm>> -> memref<1000000x64xf32, #tpu.memory_space<hbm>>
      tpu.wait_indirect_dma semaphore(%arg7 : memref<!tpu.dma_semaphore, #tpu.memory_space<semaphore_mem>>) src(%dma_wait3A_180 : memref<1000000x64xf32, #tpu.memory_space<hbm>>) dst(%dma_wait3A_174 : memref<128x64xf32, #tpu.memory_space<vmem>>)
      %dma_wait3A_181 = arith.constant 0 : i32
      %dma_wait3A_182 = arith.constant 128 : i32
      %dma_wait3A_183 = arith.constant 0 : i32
      %dma_wait3A_184 = tpu.memref_slice %arg6[%dma_wait3A_181, %dma_wait3A_182, %dma_wait3A_183] : memref<2x512x64xf32, #tpu.memory_space<vmem>> -> memref<1x128x64xf32, #tpu.memory_space<vmem>>
      %dma_wait3A_185 = tpu.memref_squeeze %dma_wait3A_184 : memref<1x128x64xf32, #tpu.memory_space<vmem>> -> memref<128x64xf32, #tpu.memory_space<vmem>>
      %dma_wait3A_186 = arith.constant 0 : i32
      %dma_wait3A_187 = tpu.memref_slice %arg5[%add3A_63, %dma_wait3A_186] : memref<200x128xi32, #tpu.memory_space<vmem>> -> memref<1x128xi32, #tpu.memory_space<vmem>>
      %dma_wait3A_188 = tpu.memref_squeeze %dma_wait3A_187 : memref<1x128xi32, #tpu.memory_space<vmem>> -> memref<128xi32, #tpu.memory_space<vmem>>
      %dma_wait3A_189 = arith.constant 0 : i32
      %dma_wait3A_190 = arith.constant 0 : i32
      %dma_wait3A_191 = tpu.memref_slice %arg3[%dma_wait3A_189, %dma_wait3A_190] : memref<1000000x64xf32, #tpu.memory_space<hbm>> -> memref<1000000x64xf32, #tpu.memory_space<hbm>>
      tpu.wait_indirect_dma semaphore(%arg7 : memref<!tpu.dma_semaphore, #tpu.memory_space<semaphore_mem>>) src(%dma_wait3A_191 : memref<1000000x64xf32, #tpu.memory_space<hbm>>) dst(%dma_wait3A_185 : memref<128x64xf32, #tpu.memory_space<vmem>>)
      %dma_wait3A_192 = arith.constant 0 : i32
      %dma_wait3A_193 = arith.constant 256 : i32
      %dma_wait3A_194 = arith.constant 0 : i32
      %dma_wait3A_195 = tpu.memref_slice %arg6[%dma_wait3A_192, %dma_wait3A_193, %dma_wait3A_194] : memref<2x512x64xf32, #tpu.memory_space<vmem>> -> memref<1x128x64xf32, #tpu.memory_space<vmem>>
      %dma_wait3A_196 = tpu.memref_squeeze %dma_wait3A_195 : memref<1x128x64xf32, #tpu.memory_space<vmem>> -> memref<128x64xf32, #tpu.memory_space<vmem>>
      %dma_wait3A_197 = arith.constant 0 : i32
      %dma_wait3A_198 = tpu.memref_slice %arg5[%add3A_78, %dma_wait3A_197] : memref<200x128xi32, #tpu.memory_space<vmem>> -> memref<1x128xi32, #tpu.memory_space<vmem>>
      %dma_wait3A_199 = tpu.memref_squeeze %dma_wait3A_198 : memref<1x128xi32, #tpu.memory_space<vmem>> -> memref<128xi32, #tpu.memory_space<vmem>>
      %dma_wait3A_200 = arith.constant 0 : i32
      %dma_wait3A_201 = arith.constant 0 : i32
      %dma_wait3A_202 = tpu.memref_slice %arg3[%dma_wait3A_200, %dma_wait3A_201] : memref<1000000x64xf32, #tpu.memory_space<hbm>> -> memref<1000000x64xf32, #tpu.memory_space<hbm>>
      tpu.wait_indirect_dma semaphore(%arg7 : memref<!tpu.dma_semaphore, #tpu.memory_space<semaphore_mem>>) src(%dma_wait3A_202 : memref<1000000x64xf32, #tpu.memory_space<hbm>>) dst(%dma_wait3A_196 : memref<128x64xf32, #tpu.memory_space<vmem>>)
      %dma_wait3A_203 = arith.constant 0 : i32
      %dma_wait3A_204 = arith.constant 384 : i32
      %dma_wait3A_205 = arith.constant 0 : i32
      %dma_wait3A_206 = tpu.memref_slice %arg6[%dma_wait3A_203, %dma_wait3A_204, %dma_wait3A_205] : memref<2x512x64xf32, #tpu.memory_space<vmem>> -> memref<1x128x64xf32, #tpu.memory_space<vmem>>
      %dma_wait3A_207 = tpu.memref_squeeze %dma_wait3A_206 : memref<1x128x64xf32, #tpu.memory_space<vmem>> -> memref<128x64xf32, #tpu.memory_space<vmem>>
      %dma_wait3A_208 = arith.constant 0 : i32
      %dma_wait3A_209 = tpu.memref_slice %arg5[%add3A_93, %dma_wait3A_208] : memref<200x128xi32, #tpu.memory_space<vmem>> -> memref<1x128xi32, #tpu.memory_space<vmem>>
      %dma_wait3A_210 = tpu.memref_squeeze %dma_wait3A_209 : memref<1x128xi32, #tpu.memory_space<vmem>> -> memref<128xi32, #tpu.memory_space<vmem>>
      %dma_wait3A_211 = arith.constant 0 : i32
      %dma_wait3A_212 = arith.constant 0 : i32
      %dma_wait3A_213 = tpu.memref_slice %arg3[%dma_wait3A_211, %dma_wait3A_212] : memref<1000000x64xf32, #tpu.memory_space<hbm>> -> memref<1000000x64xf32, #tpu.memory_space<hbm>>
      tpu.wait_indirect_dma semaphore(%arg7 : memref<!tpu.dma_semaphore, #tpu.memory_space<semaphore_mem>>) src(%dma_wait3A_213 : memref<1000000x64xf32, #tpu.memory_space<hbm>>) dst(%dma_wait3A_207 : memref<128x64xf32, #tpu.memory_space<vmem>>)
      %mul3A_214 = arith.constant 512 : i32
      %mul3A_215 = arith.muli %mul3A_39, %mul3A_214 : i32
      %add3A_216 = arith.addi %mul3A_2, %mul3A_215 : i32
      %dma_start3A_217 = arith.constant 0 : i32
      %dma_start3A_218 = arith.constant 0 : i32
      %dma_start3A_219 = arith.constant 0 : i32
      %dma_start3A_220 = tpu.memref_slice %arg6[%dma_start3A_217, %dma_start3A_218, %dma_start3A_219] : memref<2x512x64xf32, #tpu.memory_space<vmem>> -> memref<1x512x64xf32, #tpu.memory_space<vmem>>
      %dma_start3A_221 = tpu.memref_squeeze %dma_start3A_220 : memref<1x512x64xf32, #tpu.memory_space<vmem>> -> memref<512x64xf32, #tpu.memory_space<vmem>>
      %dma_start3A_222 = arith.constant 0 : i32
      %dma_start3A_223 = tpu.memref_slice %arg4[%add3A_216, %dma_start3A_222] : memref<819200x64xf32, #tpu.memory_space<hbm>> -> memref<512x64xf32, #tpu.memory_space<hbm>>
      %dma_start3A_224 = arith.constant 0 : i32
      %dma_start3A_225 = tpu.memref_slice %arg4[%add3A_216, %dma_start3A_224] : memref<819200x64xf32, #tpu.memory_space<hbm>> -> memref<512x64xf32, #tpu.memory_space<hbm>>
      %dma_start3A_226 = arith.constant 0 : i32
      %dma_start3A_227 = arith.constant 0 : i32
      %dma_start3A_228 = tpu.memref_slice %arg6[%dma_start3A_217, %dma_start3A_226, %dma_start3A_227] : memref<2x512x64xf32, #tpu.memory_space<vmem>> -> memref<1x512x64xf32, #tpu.memory_space<vmem>>
      %dma_start3A_229 = tpu.memref_squeeze %dma_start3A_228 : memref<1x512x64xf32, #tpu.memory_space<vmem>> -> memref<512x64xf32, #tpu.memory_space<vmem>>
      tpu.enqueue_dma source(%dma_start3A_229 : memref<512x64xf32, #tpu.memory_space<vmem>>) target(%dma_start3A_225 : memref<512x64xf32, #tpu.memory_space<hbm>>) target_semaphore(%arg9 : memref<!tpu.dma_semaphore, #tpu.memory_space<semaphore_mem>>)
      %dma_wait3A_230 = arith.constant 1 : i32
      %dma_wait3A_231 = arith.constant 0 : i32
      %dma_wait3A_232 = arith.constant 0 : i32
      %dma_wait3A_233 = tpu.memref_slice %arg6[%dma_wait3A_230, %dma_wait3A_231, %dma_wait3A_232] : memref<2x512x64xf32, #tpu.memory_space<vmem>> -> memref<1x128x64xf32, #tpu.memory_space<vmem>>
      %dma_wait3A_234 = tpu.memref_squeeze %dma_wait3A_233 : memref<1x128x64xf32, #tpu.memory_space<vmem>> -> memref<128x64xf32, #tpu.memory_space<vmem>>
      %dma_wait3A_235 = arith.constant 0 : i32
      %dma_wait3A_236 = tpu.memref_slice %arg5[%add3A_113, %dma_wait3A_235] : memref<200x128xi32, #tpu.memory_space<vmem>> -> memref<1x128xi32, #tpu.memory_space<vmem>>
      %dma_wait3A_237 = tpu.memref_squeeze %dma_wait3A_236 : memref<1x128xi32, #tpu.memory_space<vmem>> -> memref<128xi32, #tpu.memory_space<vmem>>
      %dma_wait3A_238 = arith.constant 0 : i32
      %dma_wait3A_239 = arith.constant 0 : i32
      %dma_wait3A_240 = tpu.memref_slice %arg3[%dma_wait3A_238, %dma_wait3A_239] : memref<1000000x64xf32, #tpu.memory_space<hbm>> -> memref<1000000x64xf32, #tpu.memory_space<hbm>>
      tpu.wait_indirect_dma semaphore(%arg8 : memref<!tpu.dma_semaphore, #tpu.memory_space<semaphore_mem>>) src(%dma_wait3A_240 : memref<1000000x64xf32, #tpu.memory_space<hbm>>) dst(%dma_wait3A_234 : memref<128x64xf32, #tpu.memory_space<vmem>>)
      %dma_wait3A_241 = arith.constant 1 : i32
      %dma_wait3A_242 = arith.constant 128 : i32
      %dma_wait3A_243 = arith.constant 0 : i32
      %dma_wait3A_244 = tpu.memref_slice %arg6[%dma_wait3A_241, %dma_wait3A_242, %dma_wait3A_243] : memref<2x512x64xf32, #tpu.memory_space<vmem>> -> memref<1x128x64xf32, #tpu.memory_space<vmem>>
      %dma_wait3A_245 = tpu.memref_squeeze %dma_wait3A_244 : memref<1x128x64xf32, #tpu.memory_space<vmem>> -> memref<128x64xf32, #tpu.memory_space<vmem>>
      %dma_wait3A_246 = arith.constant 0 : i32
      %dma_wait3A_247 = tpu.memref_slice %arg5[%add3A_128, %dma_wait3A_246] : memref<200x128xi32, #tpu.memory_space<vmem>> -> memref<1x128xi32, #tpu.memory_space<vmem>>
      %dma_wait3A_248 = tpu.memref_squeeze %dma_wait3A_247 : memref<1x128xi32, #tpu.memory_space<vmem>> -> memref<128xi32, #tpu.memory_space<vmem>>
      %dma_wait3A_249 = arith.constant 0 : i32
      %dma_wait3A_250 = arith.constant 0 : i32
      %dma_wait3A_251 = tpu.memref_slice %arg3[%dma_wait3A_249, %dma_wait3A_250] : memref<1000000x64xf32, #tpu.memory_space<hbm>> -> memref<1000000x64xf32, #tpu.memory_space<hbm>>
      tpu.wait_indirect_dma semaphore(%arg8 : memref<!tpu.dma_semaphore, #tpu.memory_space<semaphore_mem>>) src(%dma_wait3A_251 : memref<1000000x64xf32, #tpu.memory_space<hbm>>) dst(%dma_wait3A_245 : memref<128x64xf32, #tpu.memory_space<vmem>>)
      %dma_wait3A_252 = arith.constant 1 : i32
      %dma_wait3A_253 = arith.constant 256 : i32
      %dma_wait3A_254 = arith.constant 0 : i32
      %dma_wait3A_255 = tpu.memref_slice %arg6[%dma_wait3A_252, %dma_wait3A_253, %dma_wait3A_254] : memref<2x512x64xf32, #tpu.memory_space<vmem>> -> memref<1x128x64xf32, #tpu.memory_space<vmem>>
      %dma_wait3A_256 = tpu.memref_squeeze %dma_wait3A_255 : memref<1x128x64xf32, #tpu.memory_space<vmem>> -> memref<128x64xf32, #tpu.memory_space<vmem>>
      %dma_wait3A_257 = arith.constant 0 : i32
      %dma_wait3A_258 = tpu.memref_slice %arg5[%add3A_143, %dma_wait3A_257] : memref<200x128xi32, #tpu.memory_space<vmem>> -> memref<1x128xi32, #tpu.memory_space<vmem>>
      %dma_wait3A_259 = tpu.memref_squeeze %dma_wait3A_258 : memref<1x128xi32, #tpu.memory_space<vmem>> -> memref<128xi32, #tpu.memory_space<vmem>>
      %dma_wait3A_260 = arith.constant 0 : i32
      %dma_wait3A_261 = arith.constant 0 : i32
      %dma_wait3A_262 = tpu.memref_slice %arg3[%dma_wait3A_260, %dma_wait3A_261] : memref<1000000x64xf32, #tpu.memory_space<hbm>> -> memref<1000000x64xf32, #tpu.memory_space<hbm>>
      tpu.wait_indirect_dma semaphore(%arg8 : memref<!tpu.dma_semaphore, #tpu.memory_space<semaphore_mem>>) src(%dma_wait3A_262 : memref<1000000x64xf32, #tpu.memory_space<hbm>>) dst(%dma_wait3A_256 : memref<128x64xf32, #tpu.memory_space<vmem>>)
      %dma_wait3A_263 = arith.constant 1 : i32
      %dma_wait3A_264 = arith.constant 384 : i32
      %dma_wait3A_265 = arith.constant 0 : i32
      %dma_wait3A_266 = tpu.memref_slice %arg6[%dma_wait3A_263, %dma_wait3A_264, %dma_wait3A_265] : memref<2x512x64xf32, #tpu.memory_space<vmem>> -> memref<1x128x64xf32, #tpu.memory_space<vmem>>
      %dma_wait3A_267 = tpu.memref_squeeze %dma_wait3A_266 : memref<1x128x64xf32, #tpu.memory_space<vmem>> -> memref<128x64xf32, #tpu.memory_space<vmem>>
      %dma_wait3A_268 = arith.constant 0 : i32
      %dma_wait3A_269 = tpu.memref_slice %arg5[%add3A_158, %dma_wait3A_268] : memref<200x128xi32, #tpu.memory_space<vmem>> -> memref<1x128xi32, #tpu.memory_space<vmem>>
      %dma_wait3A_270 = tpu.memref_squeeze %dma_wait3A_269 : memref<1x128xi32, #tpu.memory_space<vmem>> -> memref<128xi32, #tpu.memory_space<vmem>>
      %dma_wait3A_271 = arith.constant 0 : i32
      %dma_wait3A_272 = arith.constant 0 : i32
      %dma_wait3A_273 = tpu.memref_slice %arg3[%dma_wait3A_271, %dma_wait3A_272] : memref<1000000x64xf32, #tpu.memory_space<hbm>> -> memref<1000000x64xf32, #tpu.memory_space<hbm>>
      tpu.wait_indirect_dma semaphore(%arg8 : memref<!tpu.dma_semaphore, #tpu.memory_space<semaphore_mem>>) src(%dma_wait3A_273 : memref<1000000x64xf32, #tpu.memory_space<hbm>>) dst(%dma_wait3A_267 : memref<128x64xf32, #tpu.memory_space<vmem>>)
      %mul3A_274 = arith.constant 512 : i32
      %mul3A_275 = arith.muli %add3A_43, %mul3A_274 : i32
      %add3A_276 = arith.addi %mul3A_2, %mul3A_275 : i32
      %dma_start3A_277 = arith.constant 1 : i32
      %dma_start3A_278 = arith.constant 0 : i32
      %dma_start3A_279 = arith.constant 0 : i32
      %dma_start3A_280 = tpu.memref_slice %arg6[%dma_start3A_277, %dma_start3A_278, %dma_start3A_279] : memref<2x512x64xf32, #tpu.memory_space<vmem>> -> memref<1x512x64xf32, #tpu.memory_space<vmem>>
      %dma_start3A_281 = tpu.memref_squeeze %dma_start3A_280 : memref<1x512x64xf32, #tpu.memory_space<vmem>> -> memref<512x64xf32, #tpu.memory_space<vmem>>
      %dma_start3A_282 = arith.constant 0 : i32
      %dma_start3A_283 = tpu.memref_slice %arg4[%add3A_276, %dma_start3A_282] : memref<819200x64xf32, #tpu.memory_space<hbm>> -> memref<512x64xf32, #tpu.memory_space<hbm>>
      %dma_start3A_284 = arith.constant 0 : i32
      %dma_start3A_285 = tpu.memref_slice %arg4[%add3A_276, %dma_start3A_284] : memref<819200x64xf32, #tpu.memory_space<hbm>> -> memref<512x64xf32, #tpu.memory_space<hbm>>
      %dma_start3A_286 = arith.constant 0 : i32
      %dma_start3A_287 = arith.constant 0 : i32
      %dma_start3A_288 = tpu.memref_slice %arg6[%dma_start3A_277, %dma_start3A_286, %dma_start3A_287] : memref<2x512x64xf32, #tpu.memory_space<vmem>> -> memref<1x512x64xf32, #tpu.memory_space<vmem>>
      %dma_start3A_289 = tpu.memref_squeeze %dma_start3A_288 : memref<1x512x64xf32, #tpu.memory_space<vmem>> -> memref<512x64xf32, #tpu.memory_space<vmem>>
      tpu.enqueue_dma source(%dma_start3A_289 : memref<512x64xf32, #tpu.memory_space<vmem>>) target(%dma_start3A_285 : memref<512x64xf32, #tpu.memory_space<hbm>>) target_semaphore(%arg10 : memref<!tpu.dma_semaphore, #tpu.memory_space<semaphore_mem>>)
    }
    %scan3A_7 = arith.constant 25 : i32
    %add3A_8 = arith.constant 24576 : i32
    %add3A_9 = arith.addi %mul3A_2, %add3A_8 : i32
    %dma_wait3A = arith.constant 0 : i32
    %dma_wait3A_10 = arith.constant 0 : i32
    %dma_wait3A_11 = arith.constant 0 : i32
    %dma_wait3A_12 = tpu.memref_slice %arg6[%dma_wait3A, %dma_wait3A_10, %dma_wait3A_11] : memref<2x512x64xf32, #tpu.memory_space<vmem>> -> memref<1x512x64xf32, #tpu.memory_space<vmem>>
    %dma_wait3A_13 = tpu.memref_squeeze %dma_wait3A_12 : memref<1x512x64xf32, #tpu.memory_space<vmem>> -> memref<512x64xf32, #tpu.memory_space<vmem>>
    %dma_wait3A_14 = arith.constant 0 : i32
    %dma_wait3A_15 = tpu.memref_slice %arg4[%add3A_9, %dma_wait3A_14] : memref<819200x64xf32, #tpu.memory_space<hbm>> -> memref<512x64xf32, #tpu.memory_space<hbm>>
    %dma_wait3A_16 = arith.constant 0 : i32
    %dma_wait3A_17 = tpu.memref_slice %arg4[%add3A_9, %dma_wait3A_16] : memref<819200x64xf32, #tpu.memory_space<hbm>> -> memref<512x64xf32, #tpu.memory_space<hbm>>
    %dma_wait3A_18 = arith.constant 0 : i32
    %dma_wait3A_19 = arith.constant 0 : i32
    %dma_wait3A_20 = tpu.memref_slice %arg6[%dma_wait3A, %dma_wait3A_18, %dma_wait3A_19] : memref<2x512x64xf32, #tpu.memory_space<vmem>> -> memref<1x512x64xf32, #tpu.memory_space<vmem>>
    %dma_wait3A_21 = tpu.memref_squeeze %dma_wait3A_20 : memref<1x512x64xf32, #tpu.memory_space<vmem>> -> memref<512x64xf32, #tpu.memory_space<vmem>>
    tpu.wait_dma2 semaphore(%arg9 : memref<!tpu.dma_semaphore, #tpu.memory_space<semaphore_mem>>) src(%dma_wait3A_21 : memref<512x64xf32, #tpu.memory_space<vmem>>) dst(%dma_wait3A_17 : memref<512x64xf32, #tpu.memory_space<hbm>>)
    %add3A_22 = arith.constant 25088 : i32
    %add3A_23 = arith.addi %mul3A_2, %add3A_22 : i32
    %dma_wait3A_24 = arith.constant 1 : i32
    %dma_wait3A_25 = arith.constant 0 : i32
    %dma_wait3A_26 = arith.constant 0 : i32
    %dma_wait3A_27 = tpu.memref_slice %arg6[%dma_wait3A_24, %dma_wait3A_25, %dma_wait3A_26] : memref<2x512x64xf32, #tpu.memory_space<vmem>> -> memref<1x512x64xf32, #tpu.memory_space<vmem>>
    %dma_wait3A_28 = tpu.memref_squeeze %dma_wait3A_27 : memref<1x512x64xf32, #tpu.memory_space<vmem>> -> memref<512x64xf32, #tpu.memory_space<vmem>>
    %dma_wait3A_29 = arith.constant 0 : i32
    %dma_wait3A_30 = tpu.memref_slice %arg4[%add3A_23, %dma_wait3A_29] : memref<819200x64xf32, #tpu.memory_space<hbm>> -> memref<512x64xf32, #tpu.memory_space<hbm>>
    %dma_wait3A_31 = arith.constant 0 : i32
    %dma_wait3A_32 = tpu.memref_slice %arg4[%add3A_23, %dma_wait3A_31] : memref<819200x64xf32, #tpu.memory_space<hbm>> -> memref<512x64xf32, #tpu.memory_space<hbm>>
    %dma_wait3A_33 = arith.constant 0 : i32
    %dma_wait3A_34 = arith.constant 0 : i32
    %dma_wait3A_35 = tpu.memref_slice %arg6[%dma_wait3A_24, %dma_wait3A_33, %dma_wait3A_34] : memref<2x512x64xf32, #tpu.memory_space<vmem>> -> memref<1x512x64xf32, #tpu.memory_space<vmem>>
    %dma_wait3A_36 = tpu.memref_squeeze %dma_wait3A_35 : memref<1x512x64xf32, #tpu.memory_space<vmem>> -> memref<512x64xf32, #tpu.memory_space<vmem>>
    tpu.wait_dma2 semaphore(%arg10 : memref<!tpu.dma_semaphore, #tpu.memory_space<semaphore_mem>>) src(%dma_wait3A_36 : memref<512x64xf32, #tpu.memory_space<vmem>>) dst(%dma_wait3A_32 : memref<512x64xf32, #tpu.memory_space<hbm>>)
    return
  }
}

</mosaic_0001>

<sc_bundles>
// kernel: kernel.3.cloned.1.call-start
scs
__scs_entry_jumppad:
0x0: {  	(pc) =	sbr.rel $0x88, $3  }
0x1: {  	(tag) =	ssettag $0x0;
	lr =	simm.s32 $0x1  }
0x2: {  	[smem:$0x3F9F] =	sst lr;
	_ =	strace $0xD0000000  }
0x3: {  	_ = 	snop  }
0x4: {  	_ = 	snop  }
0x5: {  	_ = 	snop  }
0x6: {  	_ = 	snop  }
0x7: {  	_ = 	snop  }
__scs_overlays_trampoline_lowered:
0x8: {  	[smem:$0x3FAE] =	sst s0  }
0x9: {  	[smem:$0x3FAF] =	sst s1  }
0xa: {  	[smem:$0x3FB0] =	sst s2  }
0xb: {  	[smem:$0x3FB1] =	sst s3  }
0xc: {  	[smem:$0x3FB2] =	sst s4  }
0xd: {  	[smem:$0x3FB3] =	sst s5  }
0xe: {  	[smem:$0x3FB4] =	sst s6  }
0xf: {  	[smem:$0x3FB5] =	sst s7  }
0x10: {  	[smem:$0x3FB6] =	sst s8  }
0x11: {  	[smem:$0x3FB7] =	sst s9;
	s0 =	simm.s32 @!p0 $0x0  }
0x12: {  	s1 =	sld [smem:$0x3F9D];
	s0 =	simm.s32 @p0 $0x1  }
0x13: {  	[smem:$0x3FB8] =	sst s0;
	s0 =	simm.s32 @!p1 $0x0  }
0x14: {  	s2 =	sld [smem:$0x3F9C];
	s0 =	simm.s32 @p1 $0x1  }
0x15: {  	[smem:$0x3FB9] =	sst s0;
	s0 =	simm.s32 @!p2 $0x0  }
0x16: {  	s3 =	sld [smem:$0x3FDB];
	s0 =	simm.s32 @p2 $0x1  }
0x17: {  	s4 =	simm.s32 $0x1BF5;
	[smem:$0x3FBB] =	sst s0  }
0x18: {  	s0 =	sld [smem:$0x3F9E];
	_ =	swait.ge [sflag:s4], $0x0  }
0x19: {  	s7 =	sld [smem:$0x3F9F]  }
0x1a: {  	s8 =	sadd.s32 $0xFFFFE003, lr  }
0x1b: {  	s9 =	sadd.s32 $0xFFFFFEF7, lr;
	s5 =	simm.s32 $0xFFFFFFFF;
	p2 =	slt.u32 s8, $0xFFFFF086  }
0x1c: {  	p1 =	slt.u32 s9, $0xF7A;
	s5 =	simm.s32 @!p2 $0x0  }
0x1d: {  	s5 =	simm.s32 @p1 $0x1;
	p0 =	seq.s32 s7, s2  }
0x1e: {  	s7 =	smul.u32 @!p0 $0xF7A, s2;
	p2 =	seq.s32 @!p0 s5, $0x0  }
0x1f: {  	s9 =	smul.u32 $0xF7A, s1;
	s8 =	simm.s32 @!p0 $0x1BF5;
	p2 =	por !p2, p0  }
0x20: {  	[sflag:s8] =	ssyncset.s32 @!p0 $0xFFFFF086;
	s6 =	sadd.s32 @!p0 s3, s7;
	s7 =	simm.s32 @!p0 $0x108  }
0x21: {  	s3 =	sadd.s32 s3, s9;
	s6 =	sadd.s32 @!p0 $0x88, s6;
	s7 =	simm.s32 @p2 $0x1082  }
0x22: {  	[simem:s7], [sflag:s8] =	dma.local @!p0 [hbm:s6], $0xF7A  }
0x23: {  	s9 =	sor.u32 $0xD0000000, s2;
	s6 =	simm.s32 $0x108;
	_ =	swait.ge @!p0 [sflag:s8], $0x0  }
0x24: {  	s3 =	sadd.s32 $0x88, s3;
	s6 =	simm.s32 @!p1 $0x1082;
	[sflag:s4] =	ssyncset.s32 $0xFFFFF086  }
0x25: {  	[simem:s6], [sflag:s4] =	dma.local [hbm:s3], $0xF7A  }
0x26: {  	[smem:$0x3F9F] =	sst s1;
	(tag) =	ssettag s2;
	_ =	strace s9  }
0x27: {  	s1 =	sld [smem:$0x3FAF]  }
0x28: {  	s2 =	sld [smem:$0x3FB0]  }
0x29: {  	s4 =	sld [smem:$0x3FB2]  }
0x2a: {  	p0 =	seq.s32 s5, $0x0;
	s5 =	sld [smem:$0x3FB3]  }
0x2b: {  	s6 =	sld [smem:$0x3FB4]  }
0x2c: {  	s7 =	sld [smem:$0x3FB5]  }
0x2d: {  	s3 =	simm.s32 $0x108;
	s8 =	sld [smem:$0x3FB6]  }
0x2e: {  	s3 =	simm.s32 @!p0 $0x1082;
	s9 =	sld [smem:$0x3FB7]  }
0x2f: {  	lr =	sadd.s32 s0, s3;
	s0 =	sld [smem:$0x3FAE]  }
0x30: {  	s3 =	sld [smem:$0x3FB1]  }
0x31: {  	[smem:$0x3FBA] =	sst s10  }
0x32: {  	s10 =	sld [smem:$0x3FB8];
	_ =	sdelay $0x3  }
0x33: {  	p0 =	seq.s32 s10, $0x1;
	s10 =	sld [smem:$0x3FBA];
	_ =	sdelay $0x3  }
0x34: {  	[smem:$0x3FBA] =	sst s10  }
0x35: {  	s10 =	sld [smem:$0x3FB9];
	_ =	sdelay $0x3  }
0x36: {  	p1 =	seq.s32 s10, $0x1;
	s10 =	sld [smem:$0x3FBA];
	_ =	sdelay $0x3  }
0x37: {  	[smem:$0x3FBA] =	sst s10  }
0x38: {  	s10 =	sld [smem:$0x3FBB]  }
0x39: {  	_ = 	snop;
	(pc) =	sbr.ind lr, $3  }
0x3a: {  	_ = 	snop  }
0x3b: {  	_ = 	snop  }
0x3c: {  	p2 =	seq.s32 s10, $0x1;
	s10 =	sld [smem:$0x3FBA]  }
0x3d: {  	_ =	shalt  }
0x3e: {  	_ =	shalt  }
0x3f: {  	_ =	shalt  }
0x40: {  	_ =	shalt  }
0x41: {  	_ =	shalt  }
0x42: {  	_ =	shalt  }
0x43: {  	_ =	shalt  }
0x44: {  	_ =	shalt  }
0x45: {  	_ =	shalt  }
0x46: {  	_ =	shalt  }
0x47: {  	_ =	shalt  }
0x48: {  	_ =	shalt  }
0x49: {  	_ =	shalt  }
0x4a: {  	_ =	shalt  }
0x4b: {  	_ =	shalt  }
0x4c: {  	_ =	shalt  }
0x4d: {  	_ =	shalt  }
0x4e: {  	_ =	shalt  }
0x4f: {  	_ =	shalt  }
0x50: {  	_ =	shalt  }
0x51: {  	_ =	shalt  }
0x52: {  	_ =	shalt  }
0x53: {  	_ =	shalt  }
0x54: {  	_ =	shalt  }
0x55: {  	_ =	shalt  }
0x56: {  	_ =	shalt  }
0x57: {  	_ =	shalt  }
0x58: {  	_ =	shalt  }
0x59: {  	_ =	shalt  }
0x5a: {  	_ =	shalt  }
0x5b: {  	_ =	shalt  }
0x5c: {  	_ =	shalt  }
0x5d: {  	_ =	shalt  }
0x5e: {  	_ =	shalt  }
0x5f: {  	_ =	shalt  }
0x60: {  	_ =	shalt  }
0x61: {  	_ =	shalt  }
0x62: {  	_ =	shalt  }
0x63: {  	_ =	shalt  }
0x64: {  	_ =	shalt  }
0x65: {  	_ =	shalt  }
0x66: {  	_ =	shalt  }
0x67: {  	_ =	shalt  }
0x68: {  	_ =	shalt  }
0x69: {  	_ =	shalt  }
0x6a: {  	_ =	shalt  }
0x6b: {  	_ =	shalt  }
0x6c: {  	_ =	shalt  }
0x6d: {  	_ =	shalt  }
0x6e: {  	_ =	shalt  }
0x6f: {  	_ =	shalt  }
0x70: {  	_ =	shalt  }
0x71: {  	_ =	shalt  }
0x72: {  	_ =	shalt  }
0x73: {  	_ =	shalt  }
0x74: {  	_ =	shalt  }
0x75: {  	_ =	shalt  }
0x76: {  	_ =	shalt  }
0x77: {  	_ =	shalt  }
0x78: {  	_ =	shalt  }
0x79: {  	_ =	shalt  }
0x7a: {  	_ =	shalt  }
0x7b: {  	_ =	shalt  }
0x7c: {  	_ =	shalt  }
0x7d: {  	_ =	shalt  }
0x7e: {  	_ =	shalt  }
0x7f: {  	_ =	shalt  }
0x80: {  	_ =	shalt  }
0x81: {  	_ =	shalt  }
0x82: {  	_ =	shalt  }
0x83: {  	_ =	shalt  }
0x84: {  	_ =	shalt  }
0x85: {  	_ =	shalt  }
0x86: {  	_ =	shalt  }
0x87: {  	_ =	shalt  }
.Lfunc_end0:
.L_simem_size_0:
called_computation.1_lowered:
.L_overlay_start_0:
0x88: {  	s2 =	sld [smem:$0x3FD9]  }
0x89: {  	s3 =	sld [smem:$0x3FFE];
	_ =	sdelay $0x1  }
0x8a: {  	s1 =	srdreg.scid  }
0x8b: {  	s0 =	sand.u32 $0x1, s1  }
0x8c: {  	s17 =	sshll.u32 s0, $0xA;
	s2 =	sadd.s32 s3, s2  }
0x8d: {  	s2 =	sadd.s32 s2, s17  }
0x8e: {  	[smem:$0x3FC6] =	sst s2  }
0x8f: {  	_ = 	snop  }
0x90: {  	s2 =	sld [smem:$0x3FD0];
	(tm) =	ssettm $0x1  }
0x91: {  	s18 =	sld [smem:$0x3FFB];
	_ =	sdelay $0x3  }
0x92: {  	_ =	strace s18  }
0x93: {  	s3 =	sld [smem:$0x3FFC];
	_ =	sdelay $0x3  }
0x94: {  	_ =	strace s3  }
0x95: {  	s3 =	sld [smem:$0x3FFD];
	_ =	sdelay $0x3  }
0x96: {  	_ =	strace s3  }
0x97: {  	_ =	strace $0x8FFFFFFF  }
0x98: {  	s19 =	sld [smem:$0x3FDB];
	_ =	sdelay $0x1  }
0x99: {  	s4 =	simm.s32 $_scs_section_size  }
0x9a: {  	s5 =	simm.s32 $_size__tile_overlayer_lowered;
	s6 =	simm.s32 $_tile_overlayer_lowered  }
0x9b: {  	s22 =	simm.s32 $0x1BFF;
	s21 =	sshll.u32 s6, $0x1;
	s3 =	sadd.s32 s4, s19  }
0x9c: {  	s7 =	simm.s32 $0x0;
	s20 =	sshll.u32 s5, $0x1;
	s5 =	sadd.s32 s21, s3  }
0x9d: {  	[timem:s7], [sflag:s22] =	dma.local [hbm:s5], s20  }
0x9e: {  	_ =	swait.ge [sflag:s22], s20  }
0x9f: {  	s4 =	ssub.s32 $0x0, s20;
	[sflag:s22] =	ssyncset.done $0x0  }
0xa0: {  	[sflag:s22] =	ssyncadd.s32 s4;
	_ =	sdelay $0x1  }
0xa1: {  	s23 =	simm.s32 $0x1B8B  }
0xa2: {  	_ =	swait.ge [sflag:s23], $0x1  }
0xa3: {  	[sflag:s23] =	ssyncset.done $0x0  }
0xa4: {  	s25 =	simm.s32 $0x1B8E;
	s24 =	sld [smem:$0x3FFE];
	[sflag:s23] =	ssyncadd.s32 $0xFFFFFFFF  }
0xa5: {  	s26 =	simm.s32 $execute0_lowered;
	[smem:$0x3FD2] =	sst s25  }
0xa6: {  	s5 =	sshll.u32 s26, $0x1;
	_ =	strace $0x80000046;
	[dreg:$0x1] =	wrdreg $0xFFFFFFFF  }
0xa7: {  	s28 =	simm.s32 $_size_execute0_lowered;
	s3 =	sadd.s32 s3, s5;
	[dreg:$0x0] =	wrdreg $0x0  }
0xa8: {  	s5 =	sshll.u32 s28, $0x1;
	[dreg:$0x2] =	wrdreg s3  }
0xa9: {  	[dreg:$0x3] =	wrdreg s5  }
0xaa: {  	[dreg:$0x4] =	wrdreg $0xC0  }
0xab: {  	_ =	task [dreg:s7], $0x5FFFF  }
0xac: {  	[dreg:$0x1] =	wrdreg $0xFFFFFFFF  }
0xad: {  	[dreg:$0x0] =	wrdreg $0x60  }
0xae: {  	[dreg:$0x2] =	wrdreg s24  }
0xaf: {  	[dreg:$0x3] =	wrdreg s2  }
0xb0: {  	[dreg:$0x4] =	wrdreg $0x9  }
0xb1: {  	_ =	task.clear_ibuf [dreg:s7], $0x5FFFF;
	_ =	strace $0x90000046  }
0xb2: {  	s29 =	simm.s32 $0x9;
	_ =	strace $0x80000048  }
0xb3: {  	_ =	swait.ge [sflag:s29], $0x1  }
0xb4: {  	[sflag:s29] =	ssyncadd.s32 $0xFFFFFFFF  }
0xb5: {  	_ =	strace $0x90000048  }
0xb6: {  	_ =	sfence  }
0xb7: {  	s30 =	sld [smem:$0x0];
	_ =	sdelay $0x2  }
0xb8: {  	s31 =	sshll.u32 s1, $0xD;
	s1 =	sshrl.u32 s1, $0x2  }
0xb9: {  	s3 =	sand.u32 $0x4000, s31;
	s1 =	sadd.s32 s1, s30  }
0xba: {  	s0 =	sor.u32 s3, s0;
	s1 =	sshll.u32 s1, $0x11  }
0xbb: {  	s0 =	sor.u32 s1, s0  }
0xbc: {  	s0 =	sadd.s32 $0x8F2B, s0  }
0xbd: {  	[sflag:s0] =	ssyncadd.remote.s32 $0x1  }
0xbe: {  	_ =	sfence.sel $0xFFFF  }
0xbf: {  	[dreg:$0x0] =	wrdreg $0xFFFFFFFF;
	(pc) =	sbr.abs _section_cstart, $3  }
0xc0: {  	[dreg:$0x1] =	wrdreg $0xFFFFFFFF  }
0xc1: {  	_ =	task.clear_ibuf [dreg:s7], $0x2FFFF;
	_ =	strace $0x9FFFFFFF  }
0xc2: {  	(tm) =	ssettm $0x7FFFFFFF  }
0xc3: {  	_ =	shalt  }
tec
execute0_lowered:
.L_overlay_start_1:
0x0: {  	(tag) =	ssettag $0x1  }
0x1: {  	s0 =	srdreg.scid  }
0x2: {  	s6 =	stileid.u32;
	s1 =	rddreg [dreg:$0x0]  }
0x3: {  	s2 =	rddreg [dreg:$0x1];
	s11 =	simm.s32 $0x5;
	s12 =	simm.s32 $0x80  }
0x4: {  	s13 =	simm.s32 $0x6400;
	s14 =	simm.s32 $0x8400;
	s16 =	simm.s32 $0xA400  }
0x5: {  	s18 =	simm.s32 $0xC400;
	s20 =	simm.s32 $0xE400;
	s22 =	simm.s32 $0x10400  }
0x6: {  	s28 =	simm.s32 $0x1;
	s29 =	simm.s32 $0x2;
	s30 =	simm.s32 $0x3  }
0x7: {  	s0 =	sand.u32 $0x1, s0;
	s3 =	sshll.u32 s6, $0x1;
	s6 =	smul.u32 $0x320000, s6  }
0x8: {  	s4 =	sor.u32 s0, s3;
	s7 =	ssub.s32 $0x2, s0;
	s0 =	smul.u32 $0x190000, s0  }
0x9: {  	s31 =	simm.s32 $0x4;
	s3 =	simm.s32 $0x0;
	s5 =	smul.u32 $0xC80, s4  }
0xa: {  	[smem:$0x7FF] =	sst s3;
	s8 =	sshrl.u32 s7, $0x1;
	s9 =	smul.u32 $0x190000, s4  }
0xb: {  	s4 =	sadd.s32 $0xF42E00, s1;
	_ =	strace $0x80000047;
	s23 =	ssub.s32 s7, s8  }
0xc: {  	s0 =	sadd.s32 s0, s6;
	s5 =	sadd.s32 s5, s1;
	s24 =	sshrl.u32 s9, $0x3  }
0xd: {  	s25 =	sadd.s32 $0x18000, s0;
	s6 =	smax.u32 s23, $0x1;
	s9 =	sadd.s32 $0x10000, s0  }
0xe: {  	s1 =	simm.s32 $0x0;
	s5 =	sadd.s32 $0xA00, s5;
	s7 =	sadd.s32 s2, s24  }
0xf: {  	s26 =	sshrl.u32 s25, $0x3;
	s24 =	simm.s32 $0x12400;
	s25 =	simm.s32 $0x380  }
0x10: {  	s8 =	sadd.s32 $0x1000, s7;
	s19 =	sadd.s32 s26, s2;
	s26 =	simm.s32 $0x14400  }
.LBB2_1:
0x11: {  	[tilespmem:s3], [sflag:$0x5] =	stream.linear.gather [hbm4b:s5+s3], $0x6400, $0x38;
	[tilespmem:$0x16400] =	vst v63  }
0x12: {  	_ =	swait.ge [sflag:s11], $0x6400  }
0x13: {  	[sflag:s11] =	ssyncset.done $0x0  }
0x14: {  	[sflag:s11] =	ssyncadd.s32 $0xFFFF9C00  }
0x15: {  	[tilespmem:s13], [sflag:$0x1] =	stream.indirect.gather [hbm4b:s4+s12], $0x40, s3, s12, $0xb8;
	[tilespmem:$0x16400] =	vst v63  }
0x16: {  	_ = 	snop  }
0x17: {  	[tilespmem:s14], [sflag:$0x1] =	stream.indirect.gather [hbm4b:s4+s12], $0x40, s12, s12, $0xb8;
	[tilespmem:$0x16400] =	vst v63  }
0x18: {  	s0 =	simm.s32 $0x100  }
0x19: {  	[tilespmem:s16], [sflag:$0x1] =	stream.indirect.gather [hbm4b:s4+s12], $0x40, s0, s12, $0xb8;
	[tilespmem:$0x16400] =	vst v63  }
0x1a: {  	s17 =	simm.s32 $0x180  }
0x1b: {  	[tilespmem:s18], [sflag:$0x1] =	stream.indirect.gather [hbm4b:s4+s12], $0x40, s17, s12, $0xb8;
	[tilespmem:$0x16400] =	vst v63  }
0x1c: {  	s21 =	simm.s32 $0x200  }
0x1d: {  	[tilespmem:s20], [sflag:$0x2] =	stream.indirect.gather [hbm4b:s4+s12], $0x40, s21, s12, $0xb8;
	[tilespmem:$0x16400] =	vst v63  }
0x1e: {  	s23 =	simm.s32 $0x280  }
0x1f: {  	[tilespmem:s22], [sflag:$0x2] =	stream.indirect.gather [hbm4b:s4+s12], $0x40, s23, s12, $0xb8;
	[tilespmem:$0x16400] =	vst v63  }
0x20: {  	s10 =	simm.s32 $0x300  }
0x21: {  	[tilespmem:s24], [sflag:$0x2] =	stream.indirect.gather [hbm4b:s4+s12], $0x40, s10, s12, $0xb8;
	[tilespmem:$0x16400] =	vst v63  }
0x22: {  	_ = 	snop  }
0x23: {  	[tilespmem:s26], [sflag:$0x2] =	stream.indirect.gather [hbm4b:s4+s12], $0x40, s25, s12, $0xb8;
	[tilespmem:$0x16400] =	vst v63  }
0x24: {  	_ =	swait.ge [sflag:s28], $0x2000  }
0x25: {  	[sflag:s28] =	ssyncset.done $0x0  }
0x26: {  	[sflag:s28] =	ssyncadd.s32 $0xFFFFE000  }
0x27: {  	_ =	swait.ge [sflag:s28], $0x2000  }
0x28: {  	[sflag:s28] =	ssyncset.done $0x0  }
0x29: {  	[sflag:s28] =	ssyncadd.s32 $0xFFFFE000  }
0x2a: {  	_ =	swait.ge [sflag:s28], $0x2000  }
0x2b: {  	[sflag:s28] =	ssyncset.done $0x0  }
0x2c: {  	[sflag:s28] =	ssyncadd.s32 $0xFFFFE000  }
0x2d: {  	_ =	swait.ge [sflag:s28], $0x2000  }
0x2e: {  	[sflag:s28] =	ssyncset.done $0x0  }
0x2f: {  	[sflag:s28] =	ssyncadd.s32 $0xFFFFE000  }
0x30: {  	[hbm4b:s7+s3] =	stream.linear.scatter [tilespmem:s13], [sflag:$0x3], $0x8000, $0x38;
	[tilespmem:$0x16400] =	vst v63  }
0x31: {  	_ =	swait.ge [sflag:s29], $0x2000  }
0x32: {  	[sflag:s29] =	ssyncset.done $0x0  }
0x33: {  	[sflag:s29] =	ssyncadd.s32 $0xFFFFE000  }
0x34: {  	_ =	swait.ge [sflag:s29], $0x2000  }
0x35: {  	[sflag:s29] =	ssyncset.done $0x0  }
0x36: {  	[sflag:s29] =	ssyncadd.s32 $0xFFFFE000  }
0x37: {  	_ =	swait.ge [sflag:s29], $0x2000  }
0x38: {  	[sflag:s29] =	ssyncset.done $0x0  }
0x39: {  	[sflag:s29] =	ssyncadd.s32 $0xFFFFE000  }
0x3a: {  	_ =	swait.ge [sflag:s29], $0x2000  }
0x3b: {  	[sflag:s29] =	ssyncset.done $0x0  }
0x3c: {  	[sflag:s29] =	ssyncadd.s32 $0xFFFFE000  }
0x3d: {  	[hbm4b:s8+s3] =	stream.linear.scatter [tilespmem:s20], [sflag:$0x4], $0x8000, $0x38;
	[tilespmem:$0x16400] =	vst v63  }
0x3e: {  	_ =	swait.ge [sflag:s30], $0x8000  }
0x3f: {  	[sflag:s30] =	ssyncset.done $0x0  }
0x40: {  	s15 =	simm.s32 $0x400;
	[sflag:s30] =	ssyncadd.s32 $0xFFFF8000  }
0x41: {  	[tilespmem:s13], [sflag:$0x1] =	stream.indirect.gather [hbm4b:s4+s12], $0x40, s15, s12, $0xb8;
	[tilespmem:$0x16400] =	vst v63  }
0x42: {  	s17 =	simm.s32 $0x480  }
0x43: {  	[tilespmem:s14], [sflag:$0x1] =	stream.indirect.gather [hbm4b:s4+s12], $0x40, s17, s12, $0xb8;
	[tilespmem:$0x16400] =	vst v63  }
0x44: {  	s21 =	simm.s32 $0x500  }
0x45: {  	[tilespmem:s16], [sflag:$0x1] =	stream.indirect.gather [hbm4b:s4+s12], $0x40, s21, s12, $0xb8;
	[tilespmem:$0x16400] =	vst v63  }
0x46: {  	s23 =	simm.s32 $0x580  }
0x47: {  	[tilespmem:s18], [sflag:$0x1] =	stream.indirect.gather [hbm4b:s4+s12], $0x40, s23, s12, $0xb8;
	[tilespmem:$0x16400] =	vst v63  }
0x48: {  	_ =	swait.ge [sflag:s31], $0x8000  }
0x49: {  	[sflag:s31] =	ssyncset.done $0x0  }
0x4a: {  	s10 =	simm.s32 $0x600;
	[sflag:s31] =	ssyncadd.s32 $0xFFFF8000  }
0x4b: {  	[tilespmem:s20], [sflag:$0x2] =	stream.indirect.gather [hbm4b:s4+s12], $0x40, s10, s12, $0xb8;
	[tilespmem:$0x16400] =	vst v63  }
0x4c: {  	s15 =	simm.s32 $0x680  }
0x4d: {  	[tilespmem:s22], [sflag:$0x2] =	stream.indirect.gather [hbm4b:s4+s12], $0x40, s15, s12, $0xb8;
	[tilespmem:$0x16400] =	vst v63  }
0x4e: {  	s17 =	simm.s32 $0x700  }
0x4f: {  	[tilespmem:s24], [sflag:$0x2] =	stream.indirect.gather [hbm4b:s4+s12], $0x40, s17, s12, $0xb8;
	[tilespmem:$0x16400] =	vst v63  }
0x50: {  	s21 =	simm.s32 $0x780  }
0x51: {  	[tilespmem:s26], [sflag:$0x2] =	stream.indirect.gather [hbm4b:s4+s12], $0x40, s21, s12, $0xb8;
	[tilespmem:$0x16400] =	vst v63  }
0x52: {  	_ =	swait.ge [sflag:s28], $0x2000  }
0x53: {  	[sflag:s28] =	ssyncset.done $0x0  }
0x54: {  	[sflag:s28] =	ssyncadd.s32 $0xFFFFE000  }
0x55: {  	_ =	swait.ge [sflag:s28], $0x2000  }
0x56: {  	[sflag:s28] =	ssyncset.done $0x0  }
0x57: {  	[sflag:s28] =	ssyncadd.s32 $0xFFFFE000  }
0x58: {  	_ =	swait.ge [sflag:s28], $0x2000  }
0x59: {  	[sflag:s28] =	ssyncset.done $0x0  }
0x5a: {  	[sflag:s28] =	ssyncadd.s32 $0xFFFFE000  }
0x5b: {  	_ =	swait.ge [sflag:s28], $0x2000  }
0x5c: {  	s23 =	sshrl.u32 s9, $0x3;
	[sflag:s28] =	ssyncset.done $0x0  }
0x5d: {  	s0 =	sadd.s32 s2, s23;
	[sflag:s28] =	ssyncadd.s32 $0xFFFFE000  }
0x5e: {  	[hbm4b:s0+s3] =	stream.linear.scatter [tilespmem:s13], [sflag:$0x3], $0x8000, $0x38;
	[tilespmem:$0x16400] =	vst v63  }
0x5f: {  	_ =	swait.ge [sflag:s29], $0x2000  }
0x60: {  	[sflag:s29] =	ssyncset.done $0x0  }
0x61: {  	[sflag:s29] =	ssyncadd.s32 $0xFFFFE000  }
0x62: {  	_ =	swait.ge [sflag:s29], $0x2000  }
0x63: {  	[sflag:s29] =	ssyncset.done $0x0  }
0x64: {  	[sflag:s29] =	ssyncadd.s32 $0xFFFFE000  }
0x65: {  	_ =	swait.ge [sflag:s29], $0x2000  }
0x66: {  	[sflag:s29] =	ssyncset.done $0x0  }
0x67: {  	[sflag:s29] =	ssyncadd.s32 $0xFFFFE000  }
0x68: {  	_ =	swait.ge [sflag:s29], $0x2000  }
0x69: {  	s10 =	smov.u32 s19;
	s15 =	sadd.s32 $0x10000, s9;
	[sflag:s29] =	ssyncset.done $0x0  }
0x6a: {  	s17 =	sadd.s32 $0x2000, s19;
	s0 =	simm.s32 $0x1000;
	[sflag:s29] =	ssyncadd.s32 $0xFFFFE000  }
.LBB2_2:
0x6b: {  	[hbm4b:s10+s3] =	stream.linear.scatter [tilespmem:s20], [sflag:$0x4], $0x8000, $0x38;
	[tilespmem:$0x16400] =	vst v63  }
0x6c: {  	s21 =	smov.u32 s0;
	s10 =	smov.u32 s17  }
0x6d: {  	p0 =	sne.s32 s0, $0x17000;
	s0 =	sadd.s32 $0x1000, s0;
	_ =	swait.ge [sflag:s30], $0x8000  }
0x6e: {  	s21 =	sshra.s32 s21, $0x2;
	[sflag:s30] =	ssyncset.done $0x0  }
0x6f: {  	s23 =	sadd.s32 $0x400, s21;
	[sflag:s30] =	ssyncadd.s32 $0xFFFF8000  }
0x70: {  	[tilespmem:s13], [sflag:$0x1] =	stream.indirect.gather [hbm4b:s4+s12], $0x40, s23, s12, $0xb8;
	[tilespmem:$0x16400] =	vst v63  }
0x71: {  	s23 =	sadd.s32 $0x480, s21  }
0x72: {  	[tilespmem:s14], [sflag:$0x1] =	stream.indirect.gather [hbm4b:s4+s12], $0x40, s23, s12, $0xb8;
	[tilespmem:$0x16400] =	vst v63  }
0x73: {  	s23 =	sadd.s32 $0x500, s21  }
0x74: {  	[tilespmem:s16], [sflag:$0x1] =	stream.indirect.gather [hbm4b:s4+s12], $0x40, s23, s12, $0xb8;
	[tilespmem:$0x16400] =	vst v63  }
0x75: {  	s23 =	sadd.s32 $0x580, s21  }
0x76: {  	[tilespmem:s18], [sflag:$0x1] =	stream.indirect.gather [hbm4b:s4+s12], $0x40, s23, s12, $0xb8;
	[tilespmem:$0x16400] =	vst v63  }
0x77: {  	_ =	swait.ge [sflag:s31], $0x8000  }
0x78: {  	[sflag:s31] =	ssyncset.done $0x0  }
0x79: {  	s23 =	sadd.s32 $0x600, s21;
	[sflag:s31] =	ssyncadd.s32 $0xFFFF8000  }
0x7a: {  	[tilespmem:s20], [sflag:$0x2] =	stream.indirect.gather [hbm4b:s4+s12], $0x40, s23, s12, $0xb8;
	[tilespmem:$0x16400] =	vst v63  }
0x7b: {  	s23 =	sadd.s32 $0x680, s21  }
0x7c: {  	[tilespmem:s22], [sflag:$0x2] =	stream.indirect.gather [hbm4b:s4+s12], $0x40, s23, s12, $0xb8;
	[tilespmem:$0x16400] =	vst v63  }
0x7d: {  	s23 =	sadd.s32 $0x700, s21  }
0x7e: {  	[tilespmem:s24], [sflag:$0x2] =	stream.indirect.gather [hbm4b:s4+s12], $0x40, s23, s12, $0xb8;
	[tilespmem:$0x16400] =	vst v63  }
0x7f: {  	s21 =	sadd.s32 $0x780, s21  }
0x80: {  	[tilespmem:s26], [sflag:$0x2] =	stream.indirect.gather [hbm4b:s4+s12], $0x40, s21, s12, $0xb8;
	[tilespmem:$0x16400] =	vst v63  }
0x81: {  	_ =	swait.ge [sflag:s28], $0x2000  }
0x82: {  	[sflag:s28] =	ssyncset.done $0x0  }
0x83: {  	[sflag:s28] =	ssyncadd.s32 $0xFFFFE000  }
0x84: {  	_ =	swait.ge [sflag:s28], $0x2000  }
0x85: {  	[sflag:s28] =	ssyncset.done $0x0  }
0x86: {  	[sflag:s28] =	ssyncadd.s32 $0xFFFFE000  }
0x87: {  	_ =	swait.ge [sflag:s28], $0x2000  }
0x88: {  	[sflag:s28] =	ssyncset.done $0x0  }
0x89: {  	[sflag:s28] =	ssyncadd.s32 $0xFFFFE000  }
0x8a: {  	_ =	swait.ge [sflag:s28], $0x2000  }
0x8b: {  	s21 =	sshrl.u32 s15, $0x3;
	[sflag:s28] =	ssyncset.done $0x0  }
0x8c: {  	s21 =	sadd.s32 s2, s21;
	[sflag:s28] =	ssyncadd.s32 $0xFFFFE000  }
0x8d: {  	[hbm4b:s21+s3] =	stream.linear.scatter [tilespmem:s13], [sflag:$0x3], $0x8000, $0x38;
	[tilespmem:$0x16400] =	vst v63  }
0x8e: {  	_ =	swait.ge [sflag:s29], $0x2000  }
0x8f: {  	[sflag:s29] =	ssyncset.done $0x0  }
0x90: {  	[sflag:s29] =	ssyncadd.s32 $0xFFFFE000  }
0x91: {  	_ =	swait.ge [sflag:s29], $0x2000  }
0x92: {  	[sflag:s29] =	ssyncset.done $0x0  }
0x93: {  	[sflag:s29] =	ssyncadd.s32 $0xFFFFE000  }
0x94: {  	_ =	swait.ge [sflag:s29], $0x2000  }
.Ltmp0:
0x95: {  	[sflag:s29] =	ssyncset.done $0x0;
	(pc) =	sbr.rel @p0 .LBB2_2-.Ltmp0, $4  }
0x96: {  	[sflag:s29] =	ssyncadd.s32 $0xFFFFE000  }
0x97: {  	_ =	swait.ge [sflag:s29], $0x2000  }
0x98: {  	[sflag:s29] =	ssyncset.done $0x0  }
0x99: {  	s17 =	sadd.s32 $0x2000, s17;
	s15 =	sadd.s32 $0x10000, s15;
	[sflag:s29] =	ssyncadd.s32 $0xFFFFE000  }
0x9a: {  	[hbm4b:s10+s3] =	stream.linear.scatter [tilespmem:s20], [sflag:$0x4], $0x8000, $0x38;
	[tilespmem:$0x16400] =	vst v63  }
0x9b: {  	s1 =	sadd.s32 $0x1, s1  }
0x9c: {  	_ =	swait.ge [sflag:s30], $0x8000;
	p0 =	sne.s32 s1, s6  }
.Ltmp1:
0x9d: {  	[sflag:s30] =	ssyncset.done $0x0;
	(pc) =	sbr.rel @p0 .LBB2_1-.Ltmp1, $4  }
0x9e: {  	[sflag:s30] =	ssyncadd.s32 $0xFFFF8000  }
0x9f: {  	_ =	swait.ge [sflag:s31], $0x8000  }
0xa0: {  	[sflag:s31] =	ssyncset.done $0x0  }
0xa1: {  	[sflag:s31] =	ssyncadd.s32 $0xFFFF8000  }
0xa2: {  	_ =	sfence.sel $0x180000  }
0xa3: {  	[bflag:$0x0] =	sbarrier.arrive $0xFFFF  }
0xa4: {  	_ =	strace $0x90000047  }
0xa5: {  	s0 =	stileid.u32;
	[bflag:$0x2] =	sbarrier.arrive $0xFFFF  }
0xa6: {  	p0 =	sne.s32 s0, $0x0;
	s0 =	rddreg [dreg:$0x2]  }
0xa7: {  	s0 =	sadd.s32 @!p0 $0x100000, s0  }
0xa8: {  	[sflag:s0] =	ssyncadd.tile.s32 @!p0 $0x1;
	_ =	shalt  }
.Lfunc_end2:
_tile_overlayer_lowered:
.L_overlay_start_2:
0xa9: {  	(tag) =	ssettag $0x2  }
0xaa: {  	s0 =	rddreg [dreg:$0x0];
	s2 =	stileid.u32  }
0xab: {  	s1 =	rddreg [dreg:$0x1];
	p0 =	sne.s32 s2, $0x0  }
0xac: {  	s3 =	rddreg [dreg:$0x2];
	[bflag:$0x3] =	sbarrier.arrive $0xFFFF;
	s2 =	simm.s32 @!p0 $0x1C05  }
0xad: {  	[timem:s3], [sflag:s2] =	dma.local @!p0 [hbm:s0], s1  }
0xae: {  	s0 =	simm.s32 @!p0 $0x5  }
0xaf: {  	_ =	swait.ge @!p0 [sflag:s0], s1  }
0xb0: {  	s1 =	ssub.s32 @!p0 $0x0, s1;
	[sflag:s0] =	ssyncset.done @!p0 $0x0  }
0xb1: {  	[sflag:s0] =	ssyncadd.s32 @!p0 s1  }
0xb2: {  	[bflag:$0x3] =	sbarrier.arrive $0xFFFF  }
0xb3: {  	_ =	shalt  }

// kernel: sparse-core-data-format-call.cloned.1.call-start
scs
called_computation_lowered:
.L_overlay_start_0:
0x0: {  	s2 =	sld [smem:$0x3FD9]  }
0x1: {  	s3 =	sld [smem:$0x3FFE];
	_ =	sdelay $0x1  }
0x2: {  	s1 =	srdreg.scid  }
0x3: {  	s0 =	sand.u32 $0x1, s1  }
0x4: {  	s18 =	sshll.u32 s0, $0xA;
	s2 =	sadd.s32 s3, s2  }
0x5: {  	s2 =	sadd.s32 s2, s18  }
0x6: {  	[smem:$0x3FC6] =	sst s2  }
0x7: {  	_ = 	snop  }
0x8: {  	s2 =	sld [smem:$0x3FD0];
	(tm) =	ssettm $0x1  }
0x9: {  	s19 =	sld [smem:$0x3FFB];
	_ =	sdelay $0x3  }
0xa: {  	_ =	strace s19  }
0xb: {  	s3 =	sld [smem:$0x3FFC];
	_ =	sdelay $0x3  }
0xc: {  	_ =	strace s3  }
0xd: {  	s3 =	sld [smem:$0x3FFD];
	_ =	sdelay $0x3  }
0xe: {  	_ =	strace s3  }
0xf: {  	_ =	strace $0x8FFFFFFF  }
0x10: {  	s20 =	sld [smem:$0x3FDB];
	_ =	sdelay $0x1  }
0x11: {  	s4 =	simm.s32 $_scs_section_size  }
0x12: {  	s5 =	simm.s32 $_size__tile_overlayer_lowered;
	s6 =	simm.s32 $_tile_overlayer_lowered  }
0x13: {  	s23 =	simm.s32 $0x1BFF;
	s22 =	sshll.u32 s6, $0x1;
	s3 =	sadd.s32 s4, s20  }
0x14: {  	s7 =	simm.s32 $0x0;
	s21 =	sshll.u32 s5, $0x1;
	s5 =	sadd.s32 s22, s3  }
0x15: {  	[timem:s7], [sflag:s23] =	dma.local [hbm:s5], s21  }
0x16: {  	_ =	swait.ge [sflag:s23], s21  }
0x17: {  	s4 =	ssub.s32 $0x0, s21;
	[sflag:s23] =	ssyncset.done $0x0  }
0x18: {  	[sflag:s23] =	ssyncadd.s32 s4;
	_ =	sdelay $0x1  }
0x19: {  	s24 =	simm.s32 $0x1B8B  }
0x1a: {  	_ =	swait.ge [sflag:s24], $0x1  }
0x1b: {  	[sflag:s24] =	ssyncset.done $0x0  }
0x1c: {  	s26 =	simm.s32 $0x1B8E;
	s25 =	sld [smem:$0x3FFE];
	[sflag:s24] =	ssyncadd.s32 $0xFFFFFFFF  }
0x1d: {  	s27 =	simm.s32 $execute0_lowered;
	[smem:$0x3FD2] =	sst s26  }
0x1e: {  	s5 =	sshll.u32 s27, $0x1;
	_ =	strace $0x80000049;
	[dreg:$0x1] =	wrdreg $0xFFFFFFFF  }
0x1f: {  	s28 =	simm.s32 $_size_execute0_lowered;
	s3 =	sadd.s32 s3, s5;
	[dreg:$0x0] =	wrdreg $0x0  }
0x20: {  	s5 =	sshll.u32 s28, $0x1;
	[dreg:$0x2] =	wrdreg s3  }
0x21: {  	[dreg:$0x3] =	wrdreg s5  }
0x22: {  	[dreg:$0x4] =	wrdreg $0xC0  }
0x23: {  	_ =	task [dreg:s7], $0x5FFFF  }
0x24: {  	[dreg:$0x1] =	wrdreg $0xFFFFFFFF  }
0x25: {  	[dreg:$0x0] =	wrdreg $0x60  }
0x26: {  	[dreg:$0x2] =	wrdreg s25  }
0x27: {  	[dreg:$0x3] =	wrdreg s2  }
0x28: {  	[dreg:$0x4] =	wrdreg $0x9  }
0x29: {  	_ =	task.clear_ibuf [dreg:s7], $0x5FFFF;
	_ =	strace $0x90000049  }
0x2a: {  	s29 =	simm.s32 $0x9;
	_ =	strace $0x8000004B  }
0x2b: {  	_ =	swait.ge [sflag:s29], $0x1  }
0x2c: {  	[sflag:s29] =	ssyncadd.s32 $0xFFFFFFFF  }
0x2d: {  	_ =	strace $0x9000004B  }
0x2e: {  	_ =	sfence  }
0x2f: {  	s30 =	sld [smem:$0x0];
	_ =	sdelay $0x2  }
0x30: {  	s31 =	sshll.u32 s1, $0xD;
	s1 =	sshrl.u32 s1, $0x2  }
0x31: {  	s3 =	sand.u32 $0x4000, s31;
	s1 =	sadd.s32 s1, s30  }
0x32: {  	s0 =	sor.u32 s3, s0;
	s1 =	sshll.u32 s1, $0x11  }
0x33: {  	s0 =	sor.u32 s1, s0  }
0x34: {  	s0 =	sadd.s32 $0x8F2B, s0  }
0x35: {  	[sflag:s0] =	ssyncadd.remote.s32 $0x1  }
0x36: {  	_ =	sfence.sel $0xFFFF  }
0x37: {  	[dreg:$0x0] =	wrdreg $0xFFFFFFFF;
	(pc) =	sbr.abs _section_cstart, $3  }
0x38: {  	[dreg:$0x1] =	wrdreg $0xFFFFFFFF  }
0x39: {  	_ =	task.clear_ibuf [dreg:s7], $0x2FFFF;
	_ =	strace $0x9FFFFFFF  }
0x3a: {  	(tm) =	ssettm $0x7FFFFFFF  }
0x3b: {  	_ =	shalt  }
tec
execute0_lowered:
.L_overlay_start_1:
0x0: {  	(tag) =	ssettag $0x1  }
0x1: {  	s0 =	srdreg.scid  }
0x2: {  	s1 =	sshll.u32 s0, $0x4  }
0x3: {  	s0 =	stileid.u32;
	s1 =	sand.u32 $0x10, s1  }
0x4: {  	s1 =	sor.u32 s0, s1  }
0x5: {  	s6 =	rddreg [dreg:$0x0];
	s4 =	simm.s32 $0x1;
	s2 =	sshll.u32 s1, $0x7  }
0x6: {  	s7 =	simm.s32 $0x2;
	s12 =	simm.s32 $0x0;
	s1 =	ssub.s32 $0x1000, s2  }
0x7: {  	s8 =	simm.s32 $0x8000;
	s13 =	simm.s32 $0x0;
	s3 =	sand.u32 $0xF80, s1  }
0x8: {  	s9 =	simm.s32 $0x0;
	s5 =	sshrl.u32 s1, $0xC;
	p0 =	sne.s32 s3, $0x0  }
.Ltmp0:
0x9: {  	s1 =	rddreg [dreg:$0x2];
	s4 =	simm.s32 @!p0 $0x0;
	(pc) =	sbr.rel .LBB1_1-.Ltmp0, $4  }
0xa: {  	s11 =	simm.s32 $0x0;
	s3 =	rddreg [dreg:$0x1];
	s5 =	sadd.s32 s4, s5  }
0xb: {  	_ =	strace $0x8000004A;
	s4 =	simm.s32 $0x1;
	s5 =	smul.u32 $0xC8, s5  }
0xc: {  	s6 =	sadd.s32 $0xA00, s6;
	s10 =	smov.u32 s2;
	[sflag:s4] =	ssyncpa.u1 $0x0  }
0xd: {  	p0 =	por $0x0, $0x0;
	[sflag:s7] =	ssyncpa.u1 $0x0;
	s7 =	sor.u32 $0x1, s5  }
.LBB1_4:
0xe: {  	s16 =	sshll.u32 s13, $0x3;
	s17 =	sand.u32 $0x78, s13  }
0xf: {  	s30 =	sand.u32 $0x7E00, s13;
	s12 =	sshll.u32 s12, $0xF;
	s16 =	sand.u32 $0xC00, s16  }
0x10: {  	[tilespmem:s15+$0x810 ss:$0x81] =	vst.msk $0xffff, v2;
	s31 =	sand.u32 $0x7, s13;
	s16 =	sor.u32 s17, s16;
	s17 =	sadd.s32 s3, s30  }
0x11: {  	[tilespmem:s15+$0x1020 ss:$0x81] =	vst.msk $0xffff, v0;
	s13 =	sshll.u32 s31, $0x12;
	s12 =	sadd.s32 s12, s17;
	s16 =	sshrl.u32 s16, $0x3  }
0x12: {  	[tilespmem:s15+$0x0 ss:$0x81] =	vst.msk $0xffff, v1;
	s13 =	sor.u32 $0x400, s13;
	s12 =	sadd.s32 s16, s12  }
0x13: {  	[hbm4b:s12+s13] =	stream.strided.scatter [tilespmem:s14], [sflag:$0x2], $0x2000, s8, s13, $0x20;
	[tilespmem:$0x8080] =	vst v63  }
.LBB1_5:
0x14: {  	s14 =	sadd.s32 $0x1, s9  }
0x15: {  	s12 =	sadd.s32 $0x1000, s10;
	s16 =	smov.u32 s10;
	p2 =	sgt.s32 s14, $0xC7  }
0x16: {  	s16 =	smov.u32 @p2 s12  }
0x17: {  	s14 =	simm.s32 @p2 $0x0;
	p2 =	sgt.s32 s16, $0xFFF  }
0x18: {  	s16 =	smov.u32 @p2 s2;
	p2 =	sne.s32 s11, s7  }
.Ltmp1:
0x19: {  	p1 =	slt.u32 s11, $0x2;
	(pc) =	sbr.rel @!p2 .LBB1_6-.Ltmp1, $4  }
0x1a: {  	s15 =	simm.s32 @!p1 $0x2  }
0x1b: {  	s13 =	smov.u32 s10;
	p0 =	por !p0, !p0;
	_ =	swait.ge @!p1 [sflag:s15], $0x2000  }
0x1c: {  	s12 =	smov.u32 s9;
	[sflag:s15] =	ssyncset.done @!p1 $0x0;
	s9 =	smov.u32 s14  }
0x1d: {  	s11 =	sadd.s32 $0x1, s11;
	[sflag:s15] =	ssyncadd.s32 @!p1 $0xFFFFE000;
	s10 =	smov.u32 s16  }
.LBB1_1:
0x1e: {  	p1 =	sge.u32 s11, s5  }
0x1f: {  	s14 =	sand.u32 @!p1 $0x1FFFFFF, s9  }
0x20: {  	s15 =	smulhi.u32 @!p1 $0x147AE15, s14;
	_ =	sdelay $0x1  }
0x21: {  	s15 =	smul.u32 @!p1 $0xC8, s15  }
0x22: {  	s16 =	sxor.u32 @!p1 $0xFFFFFFFF, s11;
	s17 =	smul.u32 @!p1 $0xC80, s10  }
0x23: {  	s31 =	sadd.s32 $0xFFFFFFFF, s11;
	s16 =	sshll.u32 @!p1 s16, $0xD;
	s14 =	ssub.s32 @!p1 s14, s15  }
0x24: {  	s15 =	sand.u32 @!p1 $0x2000, s16;
	s16 =	sadd.s32 @!p1 s6, s17;
	s14 =	sshll.u32 @!p1 s14, $0x4  }
0x25: {  	s17 =	simm.s32 @!p1 $0x6400;
	s14 =	sadd.s32 @!p1 s14, s16;
	s16 =	simm.s32 @!p1 $0x40  }
0x26: {  	[tilespmem:s15], [sflag:$0x1] =	stream.strided.gather @!p1 [hbm4b:s14+s16], $0x2000, s17, s16, $0x38;
	[tilespmem:$0x8080] =	vst v63  }
0x27: {  	p1 =	sge.u32 s31, s5  }
.Ltmp2:
0x28: {  	_ = 	snop;
	(pc) =	sbr.rel @p1 .LBB1_5-.Ltmp2, $1  }
0x29: {  	_ =	sdelay $0x3  }
0x2a: {  	s14 =	simm.s32 $0x1  }
0x2b: {  	_ =	swait.ge [sflag:s4], $0x2000;
	s14 =	simm.s32 @!p0 $0x0  }
0x2c: {  	[sflag:s4] =	ssyncset.done $0x0;
	s15 =	sshll.u32 s14, $0xD  }
0x2d: {  	[sflag:s4] =	ssyncadd.s32 $0xFFFFE000;
	s18 =	sor.u32 $0x20, s15  }
0x2e: {  	s14 =	smul.u32 $0x8100, s14;
	v3 =	vld [tilespmem:s18+$0x10]  }
0x2f: {  	s30 =	sand.u32 $0x1, s11;
	v2 =	vld [tilespmem:s18+$0xFFFFFFF0]  }
0x30: {  	s15 =	smul.u32 $0x8100, s30;
	s14 =	sshrl.u32 s14, $0x2;
	v0 =	vld [tilespmem:s18+$0x0]  }
0x31: {  	v1 =	vld [tilespmem:s18+$0xFFFFFFE0];
	s16 =	sor.u32 $0x4000, s14  }
0x32: {  	s31 =	sshrl.u32 s15, $0x2;
	s15 =	sadd.s32 $0x0, s16  }
0x33: {  	s17 =	simm.s32 $0x4;
	s18 =	sadd.s32 $0x40, s18;
	s14 =	sor.u32 $0x4000, s31;
	[tilespmem:s15+$0x1830 ss:$0x81] =	vst.msk $0xffff, v3  }
.LBB1_3:
0x34: {  	v3 =	vld [tilespmem:s18+$0x10];
	p1 =	sne.s32 s17, $0x1FC;
	[tilespmem:s15+$0x810 ss:$0x81] =	vst.msk $0xffff, v2;
	s19 =	smov.u32 s17;
	s17 =	sadd.s32 $0x4, s17  }
.Ltmp3:
0x35: {  	v2 =	vld [tilespmem:s18+$0xFFFFFFF0];
	[tilespmem:s15+$0x1020 ss:$0x81] =	vst.msk $0xffff, v0;
	(pc) =	sbr.rel @p1 .LBB1_3-.Ltmp3, $4  }
0x36: {  	v0 =	vld [tilespmem:s18+$0x0];
	[tilespmem:s15+$0x0 ss:$0x81] =	vst.msk $0xffff, v1  }
0x37: {  	s15 =	sshra.s32 s19, $0x2;
	v1 =	vld [tilespmem:s18+$0xFFFFFFE0]  }
0x38: {  	s15 =	sadd.s32 s15, s16  }
0x39: {  	s18 =	sadd.s32 $0x40, s18;
	[tilespmem:s15+$0x1830 ss:$0x81] =	vst.msk $0xffff, v3  }
.Ltmp4:
0x3a: {  	_ = 	snop;
	(pc) =	sbr.rel .LBB1_4-.Ltmp4, $1  }
0x3b: {  	_ =	sdelay $0x3  }
.LBB1_6:
0x3c: {  	_ =	sfence.sel $0x180000  }
0x3d: {  	s2 =	simm.s32 $0x1;
	[bflag:$0x0] =	sbarrier.arrive $0xFFFF  }
0x3e: {  	s31 =	simm.s32 $0x2;
	[sflag:s2] =	ssyncpa.u1 $0x1  }
0x3f: {  	[sflag:s31] =	ssyncpa.u1 $0x1  }
0x40: {  	p0 =	sne.s32 s0, $0x0;
	_ =	strace $0x9000004A  }
0x41: {  	s0 =	sadd.s32 @!p0 $0x100000, s1;
	[bflag:$0x2] =	sbarrier.arrive $0xFFFF  }
0x42: {  	[sflag:s0] =	ssyncadd.tile.s32 @!p0 $0x1;
	_ =	shalt  }
.Lfunc_end1:
_tile_overlayer_lowered:
.L_overlay_start_2:
0x43: {  	(tag) =	ssettag $0x2  }
0x44: {  	s0 =	rddreg [dreg:$0x0];
	s2 =	stileid.u32  }
0x45: {  	s1 =	rddreg [dreg:$0x1];
	p0 =	sne.s32 s2, $0x0  }
0x46: {  	s3 =	rddreg [dreg:$0x2];
	[bflag:$0x3] =	sbarrier.arrive $0xFFFF;
	s2 =	simm.s32 @!p0 $0x1C01  }
0x47: {  	[timem:s3], [sflag:s2] =	dma.local @!p0 [hbm:s0], s1  }
0x48: {  	s0 =	simm.s32 @!p0 $0x1  }
0x49: {  	_ =	swait.ge @!p0 [sflag:s0], s1  }
0x4a: {  	s1 =	ssub.s32 @!p0 $0x0, s1;
	[sflag:s0] =	ssyncset.done @!p0 $0x0  }
0x4b: {  	[sflag:s0] =	ssyncadd.s32 @!p0 s1  }
0x4c: {  	[bflag:$0x3] =	sbarrier.arrive $0xFFFF  }
0x4d: {  	_ =	shalt  }

</sc_bundles>
